<compile_context>
chip_gen: v7x
topology: tpu7x:2x2x1
jax: 0.10.2.dev20260603
libtpu: 0.0.44.dev20260713+nightly
codegen_flags: <defaults>
</compile_context>

<pallas_src>
import jax
import jax.numpy as jnp
from jax import lax
from jax.experimental import pallas as pl
from jax.experimental.pallas import tpu as pltpu
from jax.experimental.pallas import tpu_sc as plsc

N = 32768

_info = plsc.get_sparse_core_info()
_NC, _NS = _info.num_cores, _info.num_subcores
_NW = _NC * _NS
_BPW = N // _NW
_CH = 128
_NCH = _BPW // _CH
_SEG = N // _NS


def _body(idx_hbm, a_hbm, b_hbm, out_a_hbm, out_b_hbm,
          sh_a, idx_v, oa_v, ob_v, sem, sem2):
    cid = lax.axis_index("c")
    sid = lax.axis_index("s")
    wid = sid * _NC + cid
    seg = sid * _SEG
    ca = pltpu.async_copy(a_hbm.at[pl.ds(seg, _SEG)],
                          sh_a.at[pl.ds(seg, _SEG)], sem)
    ci = pltpu.async_copy(idx_hbm.at[wid], idx_v, sem)
    ci.wait()
    gb = [pltpu.async_copy(b_hbm.at[idx_v.at[j]], ob_v.at[j], sem2)
          for j in range(_NCH)]
    ca.wait()
    plsc.subcore_barrier()
    ga = [pltpu.async_copy(sh_a.at[idx_v.at[j]], oa_v.at[j], sem)
          for j in range(_NCH)]
    for g in ga:
        g.wait()
    wa = pltpu.async_copy(oa_v, out_a_hbm.at[wid], sem)
    for g in gb:
        g.wait()
    wb = pltpu.async_copy(ob_v, out_b_hbm.at[wid], sem2)
    wa.wait()
    wb.wait()


@jax.jit
def kernel(indices, a, b):
    idx = indices.astype(jnp.int32).reshape(_NW, _NCH, _CH)
    f32 = jnp.float32
    call = pl.kernel(
        _body,
        mesh=plsc.VectorSubcoreMesh(core_axis_name="c", subcore_axis_name="s"),
        compiler_params=pltpu.CompilerParams(needs_layout_passes=False),
        out_type=(
            jax.ShapeDtypeStruct((_NW, _NCH, _CH), f32),
            jax.ShapeDtypeStruct((_NW, _NCH, _CH), f32),
        ),
        scratch_types=[
            pltpu.VMEM_SHARED((N,), f32),
            pltpu.VMEM((_NCH, _CH), jnp.int32),
            pltpu.VMEM((_NCH, _CH), f32),
            pltpu.VMEM((_NCH, _CH), f32),
            pltpu.SemaphoreType.DMA,
            pltpu.SemaphoreType.DMA,
        ],
    )
    out_a, out_b = call(idx, a, b)
    return out_a.reshape(N), out_b.reshape(N)

# --- scband reference (transcript-rebuilt; emitter-appended) ---
"""Pipeline reference for scband-sort-by-index-41609643163900 (READ-ONLY COPY).

The authoritative reference and input builder live on the scoring server;
editing this copy changes nothing except your own understanding.
"""

import jax, jax.numpy as jnp
import numpy as np

N = 32768

def setup_inputs(seed: int = 0) -> dict:
    key = jax.random.key(seed)
    k1, k2, k3 = jax.random.split(key, 3)
    indices = jax.random.randint(k1, (N,), 0, N, dtype=jnp.int64)
    a = jax.random.normal(k2, (N,), dtype=jnp.float32)
    b = jax.random.normal(k3, (N,), dtype=jnp.float32)
    return {"indices": indices, "a": a, "b": b}

def reference(indices, a, b):
    # Faithful translation of torch.take(arg, indices.long()) for each arg:
    # torch.take indexes into the flattened tensor.
    idx = indices.astype(jnp.int64)
    out_a = jnp.take(a.ravel(), idx)
    out_b = jnp.take(b.ravel(), idx)
    return (out_a, out_b)

if __name__ == "__main__":
    import jax
    _d = setup_inputs()
    print(jax.jit(kernel)(*tuple(_d.values())))

</pallas_src>

<mosaic_0001>
#map = affine_map<(d0, d1) -> (0, 0, 0)>
#map1 = affine_map<(d0, d1) -> (0)>
module attributes {stable_mosaic.version = 14 : i64} {
  func.func @_body(%arg0: i32, %arg1: i32, %arg2: memref<32x8x128xi32, #tpu.memory_space<hbm>>, %arg3: memref<32768xf32, #tpu.memory_space<hbm>>, %arg4: memref<32768xf32, #tpu.memory_space<hbm>>, %arg5: memref<32x8x128xf32, #tpu.memory_space<hbm>>, %arg6: memref<32x8x128xf32, #tpu.memory_space<hbm>>, %arg7: memref<32768xf32, #tpu.memory_space<vmem_shared>>, %arg8: memref<8x128xi32, #tpu.memory_space<vmem>>, %arg9: memref<8x128xf32, #tpu.memory_space<vmem>>, %arg10: memref<8x128xf32, #tpu.memory_space<vmem>>, %arg11: memref<!tpu.dma_semaphore, #tpu.memory_space<semaphore_mem>>, %arg12: memref<!tpu.dma_semaphore, #tpu.memory_space<semaphore_mem>>) attributes {dimension_semantics = [#tpu.dimension_semantics<core_parallel>, #tpu.dimension_semantics<subcore_parallel>], iteration_bounds = array<i64: 2, 16>, scalar_prefetch = 0 : i64, scratch_operands = 6 : i64, tpu.core_type = #tpu.core_type<sc_vector_subcore>, window_params = [{transform_indices = #map}, {transform_indices = #map1}, {transform_indices = #map1}, {transform_indices = #map}, {transform_indices = #map}]} {
    %mul3A = arith.constant 2 : i32
    %mul3A_0 = arith.muli %arg1, %mul3A : i32
    %add3A = arith.addi %mul3A_0, %arg0 : i32
    %mul3A_1 = arith.constant 2048 : i32
    %mul3A_2 = arith.muli %arg1, %mul3A_1 : i32
    %dma_start3A = tpu.memref_slice %arg7[%mul3A_2] : memref<32768xf32, #tpu.memory_space<vmem_shared>> -> memref<2048xf32, #tpu.memory_space<vmem_shared>>
    %dma_start3A_3 = tpu.memref_slice %arg3[%mul3A_2] : memref<32768xf32, #tpu.memory_space<hbm>> -> memref<2048xf32, #tpu.memory_space<hbm>>
    tpu.enqueue_dma source(%dma_start3A_3 : memref<2048xf32, #tpu.memory_space<hbm>>) target(%dma_start3A : memref<2048xf32, #tpu.memory_space<vmem_shared>>) target_semaphore(%arg11 : memref<!tpu.dma_semaphore, #tpu.memory_space<semaphore_mem>>)
    %dma_start3A_4 = arith.constant 0 : i32
    %dma_start3A_5 = arith.constant 0 : i32
    %dma_start3A_6 = tpu.memref_slice %arg2[%add3A, %dma_start3A_4, %dma_start3A_5] : memref<32x8x128xi32, #tpu.memory_space<hbm>> -> memref<1x8x128xi32, #tpu.memory_space<hbm>>
    %dma_start3A_7 = tpu.memref_squeeze %dma_start3A_6 : memref<1x8x128xi32, #tpu.memory_space<hbm>> -> memref<8x128xi32, #tpu.memory_space<hbm>>
    %dma_start3A_8 = arith.constant 0 : i32
    %dma_start3A_9 = arith.constant 0 : i32
    %dma_start3A_10 = tpu.memref_slice %arg2[%add3A, %dma_start3A_8, %dma_start3A_9] : memref<32x8x128xi32, #tpu.memory_space<hbm>> -> memref<1x8x128xi32, #tpu.memory_space<hbm>>
    %dma_start3A_11 = tpu.memref_squeeze %dma_start3A_10 : memref<1x8x128xi32, #tpu.memory_space<hbm>> -> memref<8x128xi32, #tpu.memory_space<hbm>>
    tpu.enqueue_dma source(%dma_start3A_11 : memref<8x128xi32, #tpu.memory_space<hbm>>) target(%arg8 : memref<8x128xi32, #tpu.memory_space<vmem>>) target_semaphore(%arg11 : memref<!tpu.dma_semaphore, #tpu.memory_space<semaphore_mem>>)
    %dma_wait3A = arith.constant 0 : i32
    %dma_wait3A_12 = arith.constant 0 : i32
    %dma_wait3A_13 = tpu.memref_slice %arg2[%add3A, %dma_wait3A, %dma_wait3A_12] : memref<32x8x128xi32, #tpu.memory_space<hbm>> -> memref<1x8x128xi32, #tpu.memory_space<hbm>>
    %dma_wait3A_14 = tpu.memref_squeeze %dma_wait3A_13 : memref<1x8x128xi32, #tpu.memory_space<hbm>> -> memref<8x128xi32, #tpu.memory_space<hbm>>
    %dma_wait3A_15 = arith.constant 0 : i32
    %dma_wait3A_16 = arith.constant 0 : i32
    %dma_wait3A_17 = tpu.memref_slice %arg2[%add3A, %dma_wait3A_15, %dma_wait3A_16] : memref<32x8x128xi32, #tpu.memory_space<hbm>> -> memref<1x8x128xi32, #tpu.memory_space<hbm>>
    %dma_wait3A_18 = tpu.memref_squeeze %dma_wait3A_17 : memref<1x8x128xi32, #tpu.memory_space<hbm>> -> memref<8x128xi32, #tpu.memory_space<hbm>>
    tpu.wait_dma2 semaphore(%arg11 : memref<!tpu.dma_semaphore, #tpu.memory_space<semaphore_mem>>) src(%dma_wait3A_18 : memref<8x128xi32, #tpu.memory_space<hbm>>) dst(%arg8 : memref<8x128xi32, #tpu.memory_space<vmem>>)
    %dma_start3A_19 = arith.constant 0 : i32
    %dma_start3A_20 = arith.constant 0 : i32
    %dma_start3A_21 = arith.constant 0 : i32
    %dma_start3A_22 = tpu.memref_slice %arg10[%dma_start3A_20, %dma_start3A_21] : memref<8x128xf32, #tpu.memory_space<vmem>> -> memref<1x128xf32, #tpu.memory_space<vmem>>
    %dma_start3A_23 = tpu.memref_squeeze %dma_start3A_22 : memref<1x128xf32, #tpu.memory_space<vmem>> -> memref<128xf32, #tpu.memory_space<vmem>>
    %dma_start3A_24 = arith.constant 0 : i32
    %dma_start3A_25 = tpu.memref_slice %arg8[%dma_start3A_19, %dma_start3A_24] : memref<8x128xi32, #tpu.memory_space<vmem>> -> memref<1x128xi32, #tpu.memory_space<vmem>>
    %dma_start3A_26 = tpu.memref_squeeze %dma_start3A_25 : memref<1x128xi32, #tpu.memory_space<vmem>> -> memref<128xi32, #tpu.memory_space<vmem>>
    %dma_start3A_27 = arith.constant 0 : i32
    %dma_start3A_28 = tpu.memref_slice %arg4[%dma_start3A_27] : memref<32768xf32, #tpu.memory_space<hbm>> -> memref<32768xf32, #tpu.memory_space<hbm>>
    tpu.enqueue_indirect_dma source(%dma_start3A_28 : memref<32768xf32, #tpu.memory_space<hbm>>) target(%dma_start3A_23 : memref<128xf32, #tpu.memory_space<vmem>>) offsets(%dma_start3A_26 : memref<128xi32, #tpu.memory_space<vmem>>) semaphore(%arg12 : memref<!tpu.dma_semaphore, #tpu.memory_space<semaphore_mem>>)
    %dma_start3A_29 = arith.constant 1 : i32
    %dma_start3A_30 = arith.constant 1 : i32
    %dma_start3A_31 = arith.constant 0 : i32
    %dma_start3A_32 = tpu.memref_slice %arg10[%dma_start3A_30, %dma_start3A_31] : memref<8x128xf32, #tpu.memory_space<vmem>> -> memref<1x128xf32, #tpu.memory_space<vmem>>
    %dma_start3A_33 = tpu.memref_squeeze %dma_start3A_32 : memref<1x128xf32, #tpu.memory_space<vmem>> -> memref<128xf32, #tpu.memory_space<vmem>>
    %dma_start3A_34 = arith.constant 0 : i32
    %dma_start3A_35 = tpu.memref_slice %arg8[%dma_start3A_29, %dma_start3A_34] : memref<8x128xi32, #tpu.memory_space<vmem>> -> memref<1x128xi32, #tpu.memory_space<vmem>>
    %dma_start3A_36 = tpu.memref_squeeze %dma_start3A_35 : memref<1x128xi32, #tpu.memory_space<vmem>> -> memref<128xi32, #tpu.memory_space<vmem>>
    %dma_start3A_37 = arith.constant 0 : i32
    %dma_start3A_38 = tpu.memref_slice %arg4[%dma_start3A_37] : memref<32768xf32, #tpu.memory_space<hbm>> -> memref<32768xf32, #tpu.memory_space<hbm>>
    tpu.enqueue_indirect_dma source(%dma_start3A_38 : memref<32768xf32, #tpu.memory_space<hbm>>) target(%dma_start3A_33 : memref<128xf32, #tpu.memory_space<vmem>>) offsets(%dma_start3A_36 : memref<128xi32, #tpu.memory_space<vmem>>) semaphore(%arg12 : memref<!tpu.dma_semaphore, #tpu.memory_space<semaphore_mem>>)
    %dma_start3A_39 = arith.constant 2 : i32
    %dma_start3A_40 = arith.constant 2 : i32
    %dma_start3A_41 = arith.constant 0 : i32
    %dma_start3A_42 = tpu.memref_slice %arg10[%dma_start3A_40, %dma_start3A_41] : memref<8x128xf32, #tpu.memory_space<vmem>> -> memref<1x128xf32, #tpu.memory_space<vmem>>
    %dma_start3A_43 = tpu.memref_squeeze %dma_start3A_42 : memref<1x128xf32, #tpu.memory_space<vmem>> -> memref<128xf32, #tpu.memory_space<vmem>>
    %dma_start3A_44 = arith.constant 0 : i32
    %dma_start3A_45 = tpu.memref_slice %arg8[%dma_start3A_39, %dma_start3A_44] : memref<8x128xi32, #tpu.memory_space<vmem>> -> memref<1x128xi32, #tpu.memory_space<vmem>>
    %dma_start3A_46 = tpu.memref_squeeze %dma_start3A_45 : memref<1x128xi32, #tpu.memory_space<vmem>> -> memref<128xi32, #tpu.memory_space<vmem>>
    %dma_start3A_47 = arith.constant 0 : i32
    %dma_start3A_48 = tpu.memref_slice %arg4[%dma_start3A_47] : memref<32768xf32, #tpu.memory_space<hbm>> -> memref<32768xf32, #tpu.memory_space<hbm>>
    tpu.enqueue_indirect_dma source(%dma_start3A_48 : memref<32768xf32, #tpu.memory_space<hbm>>) target(%dma_start3A_43 : memref<128xf32, #tpu.memory_space<vmem>>) offsets(%dma_start3A_46 : memref<128xi32, #tpu.memory_space<vmem>>) semaphore(%arg12 : memref<!tpu.dma_semaphore, #tpu.memory_space<semaphore_mem>>)
    %dma_start3A_49 = arith.constant 3 : i32
    %dma_start3A_50 = arith.constant 3 : i32
    %dma_start3A_51 = arith.constant 0 : i32
    %dma_start3A_52 = tpu.memref_slice %arg10[%dma_start3A_50, %dma_start3A_51] : memref<8x128xf32, #tpu.memory_space<vmem>> -> memref<1x128xf32, #tpu.memory_space<vmem>>
    %dma_start3A_53 = tpu.memref_squeeze %dma_start3A_52 : memref<1x128xf32, #tpu.memory_space<vmem>> -> memref<128xf32, #tpu.memory_space<vmem>>
    %dma_start3A_54 = arith.constant 0 : i32
    %dma_start3A_55 = tpu.memref_slice %arg8[%dma_start3A_49, %dma_start3A_54] : memref<8x128xi32, #tpu.memory_space<vmem>> -> memref<1x128xi32, #tpu.memory_space<vmem>>
    %dma_start3A_56 = tpu.memref_squeeze %dma_start3A_55 : memref<1x128xi32, #tpu.memory_space<vmem>> -> memref<128xi32, #tpu.memory_space<vmem>>
    %dma_start3A_57 = arith.constant 0 : i32
    %dma_start3A_58 = tpu.memref_slice %arg4[%dma_start3A_57] : memref<32768xf32, #tpu.memory_space<hbm>> -> memref<32768xf32, #tpu.memory_space<hbm>>
    tpu.enqueue_indirect_dma source(%dma_start3A_58 : memref<32768xf32, #tpu.memory_space<hbm>>) target(%dma_start3A_53 : memref<128xf32, #tpu.memory_space<vmem>>) offsets(%dma_start3A_56 : memref<128xi32, #tpu.memory_space<vmem>>) semaphore(%arg12 : memref<!tpu.dma_semaphore, #tpu.memory_space<semaphore_mem>>)
    %dma_start3A_59 = arith.constant 4 : i32
    %dma_start3A_60 = arith.constant 4 : i32
    %dma_start3A_61 = arith.constant 0 : i32
    %dma_start3A_62 = tpu.memref_slice %arg10[%dma_start3A_60, %dma_start3A_61] : memref<8x128xf32, #tpu.memory_space<vmem>> -> memref<1x128xf32, #tpu.memory_space<vmem>>
    %dma_start3A_63 = tpu.memref_squeeze %dma_start3A_62 : memref<1x128xf32, #tpu.memory_space<vmem>> -> memref<128xf32, #tpu.memory_space<vmem>>
    %dma_start3A_64 = arith.constant 0 : i32
    %dma_start3A_65 = tpu.memref_slice %arg8[%dma_start3A_59, %dma_start3A_64] : memref<8x128xi32, #tpu.memory_space<vmem>> -> memref<1x128xi32, #tpu.memory_space<vmem>>
    %dma_start3A_66 = tpu.memref_squeeze %dma_start3A_65 : memref<1x128xi32, #tpu.memory_space<vmem>> -> memref<128xi32, #tpu.memory_space<vmem>>
    %dma_start3A_67 = arith.constant 0 : i32
    %dma_start3A_68 = tpu.memref_slice %arg4[%dma_start3A_67] : memref<32768xf32, #tpu.memory_space<hbm>> -> memref<32768xf32, #tpu.memory_space<hbm>>
    tpu.enqueue_indirect_dma source(%dma_start3A_68 : memref<32768xf32, #tpu.memory_space<hbm>>) target(%dma_start3A_63 : memref<128xf32, #tpu.memory_space<vmem>>) offsets(%dma_start3A_66 : memref<128xi32, #tpu.memory_space<vmem>>) semaphore(%arg12 : memref<!tpu.dma_semaphore, #tpu.memory_space<semaphore_mem>>)
    %dma_start3A_69 = arith.constant 5 : i32
    %dma_start3A_70 = arith.constant 5 : i32
    %dma_start3A_71 = arith.constant 0 : i32
    %dma_start3A_72 = tpu.memref_slice %arg10[%dma_start3A_70, %dma_start3A_71] : memref<8x128xf32, #tpu.memory_space<vmem>> -> memref<1x128xf32, #tpu.memory_space<vmem>>
    %dma_start3A_73 = tpu.memref_squeeze %dma_start3A_72 : memref<1x128xf32, #tpu.memory_space<vmem>> -> memref<128xf32, #tpu.memory_space<vmem>>
    %dma_start3A_74 = arith.constant 0 : i32
    %dma_start3A_75 = tpu.memref_slice %arg8[%dma_start3A_69, %dma_start3A_74] : memref<8x128xi32, #tpu.memory_space<vmem>> -> memref<1x128xi32, #tpu.memory_space<vmem>>
    %dma_start3A_76 = tpu.memref_squeeze %dma_start3A_75 : memref<1x128xi32, #tpu.memory_space<vmem>> -> memref<128xi32, #tpu.memory_space<vmem>>
    %dma_start3A_77 = arith.constant 0 : i32
    %dma_start3A_78 = tpu.memref_slice %arg4[%dma_start3A_77] : memref<32768xf32, #tpu.memory_space<hbm>> -> memref<32768xf32, #tpu.memory_space<hbm>>
    tpu.enqueue_indirect_dma source(%dma_start3A_78 : memref<32768xf32, #tpu.memory_space<hbm>>) target(%dma_start3A_73 : memref<128xf32, #tpu.memory_space<vmem>>) offsets(%dma_start3A_76 : memref<128xi32, #tpu.memory_space<vmem>>) semaphore(%arg12 : memref<!tpu.dma_semaphore, #tpu.memory_space<semaphore_mem>>)
    %dma_start3A_79 = arith.constant 6 : i32
    %dma_start3A_80 = arith.constant 6 : i32
    %dma_start3A_81 = arith.constant 0 : i32
    %dma_start3A_82 = tpu.memref_slice %arg10[%dma_start3A_80, %dma_start3A_81] : memref<8x128xf32, #tpu.memory_space<vmem>> -> memref<1x128xf32, #tpu.memory_space<vmem>>
    %dma_start3A_83 = tpu.memref_squeeze %dma_start3A_82 : memref<1x128xf32, #tpu.memory_space<vmem>> -> memref<128xf32, #tpu.memory_space<vmem>>
    %dma_start3A_84 = arith.constant 0 : i32
    %dma_start3A_85 = tpu.memref_slice %arg8[%dma_start3A_79, %dma_start3A_84] : memref<8x128xi32, #tpu.memory_space<vmem>> -> memref<1x128xi32, #tpu.memory_space<vmem>>
    %dma_start3A_86 = tpu.memref_squeeze %dma_start3A_85 : memref<1x128xi32, #tpu.memory_space<vmem>> -> memref<128xi32, #tpu.memory_space<vmem>>
    %dma_start3A_87 = arith.constant 0 : i32
    %dma_start3A_88 = tpu.memref_slice %arg4[%dma_start3A_87] : memref<32768xf32, #tpu.memory_space<hbm>> -> memref<32768xf32, #tpu.memory_space<hbm>>
    tpu.enqueue_indirect_dma source(%dma_start3A_88 : memref<32768xf32, #tpu.memory_space<hbm>>) target(%dma_start3A_83 : memref<128xf32, #tpu.memory_space<vmem>>) offsets(%dma_start3A_86 : memref<128xi32, #tpu.memory_space<vmem>>) semaphore(%arg12 : memref<!tpu.dma_semaphore, #tpu.memory_space<semaphore_mem>>)
    %dma_start3A_89 = arith.constant 7 : i32
    %dma_start3A_90 = arith.constant 7 : i32
    %dma_start3A_91 = arith.constant 0 : i32
    %dma_start3A_92 = tpu.memref_slice %arg10[%dma_start3A_90, %dma_start3A_91] : memref<8x128xf32, #tpu.memory_space<vmem>> -> memref<1x128xf32, #tpu.memory_space<vmem>>
    %dma_start3A_93 = tpu.memref_squeeze %dma_start3A_92 : memref<1x128xf32, #tpu.memory_space<vmem>> -> memref<128xf32, #tpu.memory_space<vmem>>
    %dma_start3A_94 = arith.constant 0 : i32
    %dma_start3A_95 = tpu.memref_slice %arg8[%dma_start3A_89, %dma_start3A_94] : memref<8x128xi32, #tpu.memory_space<vmem>> -> memref<1x128xi32, #tpu.memory_space<vmem>>
    %dma_start3A_96 = tpu.memref_squeeze %dma_start3A_95 : memref<1x128xi32, #tpu.memory_space<vmem>> -> memref<128xi32, #tpu.memory_space<vmem>>
    %dma_start3A_97 = arith.constant 0 : i32
    %dma_start3A_98 = tpu.memref_slice %arg4[%dma_start3A_97] : memref<32768xf32, #tpu.memory_space<hbm>> -> memref<32768xf32, #tpu.memory_space<hbm>>
    tpu.enqueue_indirect_dma source(%dma_start3A_98 : memref<32768xf32, #tpu.memory_space<hbm>>) target(%dma_start3A_93 : memref<128xf32, #tpu.memory_space<vmem>>) offsets(%dma_start3A_96 : memref<128xi32, #tpu.memory_space<vmem>>) semaphore(%arg12 : memref<!tpu.dma_semaphore, #tpu.memory_space<semaphore_mem>>)
    %dma_wait3A_99 = tpu.memref_slice %arg7[%mul3A_2] : memref<32768xf32, #tpu.memory_space<vmem_shared>> -> memref<2048xf32, #tpu.memory_space<vmem_shared>>
    %dma_wait3A_100 = tpu.memref_slice %arg3[%mul3A_2] : memref<32768xf32, #tpu.memory_space<hbm>> -> memref<2048xf32, #tpu.memory_space<hbm>>
    tpu.wait_dma2 semaphore(%arg11 : memref<!tpu.dma_semaphore, #tpu.memory_space<semaphore_mem>>) src(%dma_wait3A_100 : memref<2048xf32, #tpu.memory_space<hbm>>) dst(%dma_wait3A_99 : memref<2048xf32, #tpu.memory_space<vmem_shared>>)
    %barrier3A = arith.constant 0 : index
    tpu.barrier barrier_id(%barrier3A)
    %dma_start3A_101 = arith.constant 0 : i32
    %dma_start3A_102 = arith.constant 0 : i32
    %dma_start3A_103 = arith.constant 0 : i32
    %dma_start3A_104 = tpu.memref_slice %arg9[%dma_start3A_102, %dma_start3A_103] : memref<8x128xf32, #tpu.memory_space<vmem>> -> memref<1x128xf32, #tpu.memory_space<vmem>>
    %dma_start3A_105 = tpu.memref_squeeze %dma_start3A_104 : memref<1x128xf32, #tpu.memory_space<vmem>> -> memref<128xf32, #tpu.memory_space<vmem>>
    %dma_start3A_106 = arith.constant 0 : i32
    %dma_start3A_107 = tpu.memref_slice %arg8[%dma_start3A_101, %dma_start3A_106] : memref<8x128xi32, #tpu.memory_space<vmem>> -> memref<1x128xi32, #tpu.memory_space<vmem>>
    %dma_start3A_108 = tpu.memref_squeeze %dma_start3A_107 : memref<1x128xi32, #tpu.memory_space<vmem>> -> memref<128xi32, #tpu.memory_space<vmem>>
    %dma_start3A_109 = arith.constant 0 : i32
    %dma_start3A_110 = tpu.memref_slice %arg7[%dma_start3A_109] : memref<32768xf32, #tpu.memory_space<vmem_shared>> -> memref<32768xf32, #tpu.memory_space<vmem_shared>>
    tpu.enqueue_indirect_dma source(%dma_start3A_110 : memref<32768xf32, #tpu.memory_space<vmem_shared>>) target(%dma_start3A_105 : memref<128xf32, #tpu.memory_space<vmem>>) offsets(%dma_start3A_108 : memref<128xi32, #tpu.memory_space<vmem>>) semaphore(%arg11 : memref<!tpu.dma_semaphore, #tpu.memory_space<semaphore_mem>>)
    %dma_start3A_111 = arith.constant 1 : i32
    %dma_start3A_112 = arith.constant 1 : i32
    %dma_start3A_113 = arith.constant 0 : i32
    %dma_start3A_114 = tpu.memref_slice %arg9[%dma_start3A_112, %dma_start3A_113] : memref<8x128xf32, #tpu.memory_space<vmem>> -> memref<1x128xf32, #tpu.memory_space<vmem>>
    %dma_start3A_115 = tpu.memref_squeeze %dma_start3A_114 : memref<1x128xf32, #tpu.memory_space<vmem>> -> memref<128xf32, #tpu.memory_space<vmem>>
    %dma_start3A_116 = arith.constant 0 : i32
    %dma_start3A_117 = tpu.memref_slice %arg8[%dma_start3A_111, %dma_start3A_116] : memref<8x128xi32, #tpu.memory_space<vmem>> -> memref<1x128xi32, #tpu.memory_space<vmem>>
    %dma_start3A_118 = tpu.memref_squeeze %dma_start3A_117 : memref<1x128xi32, #tpu.memory_space<vmem>> -> memref<128xi32, #tpu.memory_space<vmem>>
    %dma_start3A_119 = arith.constant 0 : i32
    %dma_start3A_120 = tpu.memref_slice %arg7[%dma_start3A_119] : memref<32768xf32, #tpu.memory_space<vmem_shared>> -> memref<32768xf32, #tpu.memory_space<vmem_shared>>
    tpu.enqueue_indirect_dma source(%dma_start3A_120 : memref<32768xf32, #tpu.memory_space<vmem_shared>>) target(%dma_start3A_115 : memref<128xf32, #tpu.memory_space<vmem>>) offsets(%dma_start3A_118 : memref<128xi32, #tpu.memory_space<vmem>>) semaphore(%arg11 : memref<!tpu.dma_semaphore, #tpu.memory_space<semaphore_mem>>)
    %dma_start3A_121 = arith.constant 2 : i32
    %dma_start3A_122 = arith.constant 2 : i32
    %dma_start3A_123 = arith.constant 0 : i32
    %dma_start3A_124 = tpu.memref_slice %arg9[%dma_start3A_122, %dma_start3A_123] : memref<8x128xf32, #tpu.memory_space<vmem>> -> memref<1x128xf32, #tpu.memory_space<vmem>>
    %dma_start3A_125 = tpu.memref_squeeze %dma_start3A_124 : memref<1x128xf32, #tpu.memory_space<vmem>> -> memref<128xf32, #tpu.memory_space<vmem>>
    %dma_start3A_126 = arith.constant 0 : i32
    %dma_start3A_127 = tpu.memref_slice %arg8[%dma_start3A_121, %dma_start3A_126] : memref<8x128xi32, #tpu.memory_space<vmem>> -> memref<1x128xi32, #tpu.memory_space<vmem>>
    %dma_start3A_128 = tpu.memref_squeeze %dma_start3A_127 : memref<1x128xi32, #tpu.memory_space<vmem>> -> memref<128xi32, #tpu.memory_space<vmem>>
    %dma_start3A_129 = arith.constant 0 : i32
    %dma_start3A_130 = tpu.memref_slice %arg7[%dma_start3A_129] : memref<32768xf32, #tpu.memory_space<vmem_shared>> -> memref<32768xf32, #tpu.memory_space<vmem_shared>>
    tpu.enqueue_indirect_dma source(%dma_start3A_130 : memref<32768xf32, #tpu.memory_space<vmem_shared>>) target(%dma_start3A_125 : memref<128xf32, #tpu.memory_space<vmem>>) offsets(%dma_start3A_128 : memref<128xi32, #tpu.memory_space<vmem>>) semaphore(%arg11 : memref<!tpu.dma_semaphore, #tpu.memory_space<semaphore_mem>>)
    %dma_start3A_131 = arith.constant 3 : i32
    %dma_start3A_132 = arith.constant 3 : i32
    %dma_start3A_133 = arith.constant 0 : i32
    %dma_start3A_134 = tpu.memref_slice %arg9[%dma_start3A_132, %dma_start3A_133] : memref<8x128xf32, #tpu.memory_space<vmem>> -> memref<1x128xf32, #tpu.memory_space<vmem>>
    %dma_start3A_135 = tpu.memref_squeeze %dma_start3A_134 : memref<1x128xf32, #tpu.memory_space<vmem>> -> memref<128xf32, #tpu.memory_space<vmem>>
    %dma_start3A_136 = arith.constant 0 : i32
    %dma_start3A_137 = tpu.memref_slice %arg8[%dma_start3A_131, %dma_start3A_136] : memref<8x128xi32, #tpu.memory_space<vmem>> -> memref<1x128xi32, #tpu.memory_space<vmem>>
    %dma_start3A_138 = tpu.memref_squeeze %dma_start3A_137 : memref<1x128xi32, #tpu.memory_space<vmem>> -> memref<128xi32, #tpu.memory_space<vmem>>
    %dma_start3A_139 = arith.constant 0 : i32
    %dma_start3A_140 = tpu.memref_slice %arg7[%dma_start3A_139] : memref<32768xf32, #tpu.memory_space<vmem_shared>> -> memref<32768xf32, #tpu.memory_space<vmem_shared>>
    tpu.enqueue_indirect_dma source(%dma_start3A_140 : memref<32768xf32, #tpu.memory_space<vmem_shared>>) target(%dma_start3A_135 : memref<128xf32, #tpu.memory_space<vmem>>) offsets(%dma_start3A_138 : memref<128xi32, #tpu.memory_space<vmem>>) semaphore(%arg11 : memref<!tpu.dma_semaphore, #tpu.memory_space<semaphore_mem>>)
    %dma_start3A_141 = arith.constant 4 : i32
    %dma_start3A_142 = arith.constant 4 : i32
    %dma_start3A_143 = arith.constant 0 : i32
    %dma_start3A_144 = tpu.memref_slice %arg9[%dma_start3A_142, %dma_start3A_143] : memref<8x128xf32, #tpu.memory_space<vmem>> -> memref<1x128xf32, #tpu.memory_space<vmem>>
    %dma_start3A_145 = tpu.memref_squeeze %dma_start3A_144 : memref<1x128xf32, #tpu.memory_space<vmem>> -> memref<128xf32, #tpu.memory_space<vmem>>
    %dma_start3A_146 = arith.constant 0 : i32
    %dma_start3A_147 = tpu.memref_slice %arg8[%dma_start3A_141, %dma_start3A_146] : memref<8x128xi32, #tpu.memory_space<vmem>> -> memref<1x128xi32, #tpu.memory_space<vmem>>
    %dma_start3A_148 = tpu.memref_squeeze %dma_start3A_147 : memref<1x128xi32, #tpu.memory_space<vmem>> -> memref<128xi32, #tpu.memory_space<vmem>>
    %dma_start3A_149 = arith.constant 0 : i32
    %dma_start3A_150 = tpu.memref_slice %arg7[%dma_start3A_149] : memref<32768xf32, #tpu.memory_space<vmem_shared>> -> memref<32768xf32, #tpu.memory_space<vmem_shared>>
    tpu.enqueue_indirect_dma source(%dma_start3A_150 : memref<32768xf32, #tpu.memory_space<vmem_shared>>) target(%dma_start3A_145 : memref<128xf32, #tpu.memory_space<vmem>>) offsets(%dma_start3A_148 : memref<128xi32, #tpu.memory_space<vmem>>) semaphore(%arg11 : memref<!tpu.dma_semaphore, #tpu.memory_space<semaphore_mem>>)
    %dma_start3A_151 = arith.constant 5 : i32
    %dma_start3A_152 = arith.constant 5 : i32
    %dma_start3A_153 = arith.constant 0 : i32
    %dma_start3A_154 = tpu.memref_slice %arg9[%dma_start3A_152, %dma_start3A_153] : memref<8x128xf32, #tpu.memory_space<vmem>> -> memref<1x128xf32, #tpu.memory_space<vmem>>
    %dma_start3A_155 = tpu.memref_squeeze %dma_start3A_154 : memref<1x128xf32, #tpu.memory_space<vmem>> -> memref<128xf32, #tpu.memory_space<vmem>>
    %dma_start3A_156 = arith.constant 0 : i32
    %dma_start3A_157 = tpu.memref_slice %arg8[%dma_start3A_151, %dma_start3A_156] : memref<8x128xi32, #tpu.memory_space<vmem>> -> memref<1x128xi32, #tpu.memory_space<vmem>>
    %dma_start3A_158 = tpu.memref_squeeze %dma_start3A_157 : memref<1x128xi32, #tpu.memory_space<vmem>> -> memref<128xi32, #tpu.memory_space<vmem>>
    %dma_start3A_159 = arith.constant 0 : i32
    %dma_start3A_160 = tpu.memref_slice %arg7[%dma_start3A_159] : memref<32768xf32, #tpu.memory_space<vmem_shared>> -> memref<32768xf32, #tpu.memory_space<vmem_shared>>
    tpu.enqueue_indirect_dma source(%dma_start3A_160 : memref<32768xf32, #tpu.memory_space<vmem_shared>>) target(%dma_start3A_155 : memref<128xf32, #tpu.memory_space<vmem>>) offsets(%dma_start3A_158 : memref<128xi32, #tpu.memory_space<vmem>>) semaphore(%arg11 : memref<!tpu.dma_semaphore, #tpu.memory_space<semaphore_mem>>)
    %dma_start3A_161 = arith.constant 6 : i32
    %dma_start3A_162 = arith.constant 6 : i32
    %dma_start3A_163 = arith.constant 0 : i32
    %dma_start3A_164 = tpu.memref_slice %arg9[%dma_start3A_162, %dma_start3A_163] : memref<8x128xf32, #tpu.memory_space<vmem>> -> memref<1x128xf32, #tpu.memory_space<vmem>>
    %dma_start3A_165 = tpu.memref_squeeze %dma_start3A_164 : memref<1x128xf32, #tpu.memory_space<vmem>> -> memref<128xf32, #tpu.memory_space<vmem>>
    %dma_start3A_166 = arith.constant 0 : i32
    %dma_start3A_167 = tpu.memref_slice %arg8[%dma_start3A_161, %dma_start3A_166] : memref<8x128xi32, #tpu.memory_space<vmem>> -> memref<1x128xi32, #tpu.memory_space<vmem>>
    %dma_start3A_168 = tpu.memref_squeeze %dma_start3A_167 : memref<1x128xi32, #tpu.memory_space<vmem>> -> memref<128xi32, #tpu.memory_space<vmem>>
    %dma_start3A_169 = arith.constant 0 : i32
    %dma_start3A_170 = tpu.memref_slice %arg7[%dma_start3A_169] : memref<32768xf32, #tpu.memory_space<vmem_shared>> -> memref<32768xf32, #tpu.memory_space<vmem_shared>>
    tpu.enqueue_indirect_dma source(%dma_start3A_170 : memref<32768xf32, #tpu.memory_space<vmem_shared>>) target(%dma_start3A_165 : memref<128xf32, #tpu.memory_space<vmem>>) offsets(%dma_start3A_168 : memref<128xi32, #tpu.memory_space<vmem>>) semaphore(%arg11 : memref<!tpu.dma_semaphore, #tpu.memory_space<semaphore_mem>>)
    %dma_start3A_171 = arith.constant 7 : i32
    %dma_start3A_172 = arith.constant 7 : i32
    %dma_start3A_173 = arith.constant 0 : i32
    %dma_start3A_174 = tpu.memref_slice %arg9[%dma_start3A_172, %dma_start3A_173] : memref<8x128xf32, #tpu.memory_space<vmem>> -> memref<1x128xf32, #tpu.memory_space<vmem>>
    %dma_start3A_175 = tpu.memref_squeeze %dma_start3A_174 : memref<1x128xf32, #tpu.memory_space<vmem>> -> memref<128xf32, #tpu.memory_space<vmem>>
    %dma_start3A_176 = arith.constant 0 : i32
    %dma_start3A_177 = tpu.memref_slice %arg8[%dma_start3A_171, %dma_start3A_176] : memref<8x128xi32, #tpu.memory_space<vmem>> -> memref<1x128xi32, #tpu.memory_space<vmem>>
    %dma_start3A_178 = tpu.memref_squeeze %dma_start3A_177 : memref<1x128xi32, #tpu.memory_space<vmem>> -> memref<128xi32, #tpu.memory_space<vmem>>
    %dma_start3A_179 = arith.constant 0 : i32
    %dma_start3A_180 = tpu.memref_slice %arg7[%dma_start3A_179] : memref<32768xf32, #tpu.memory_space<vmem_shared>> -> memref<32768xf32, #tpu.memory_space<vmem_shared>>
    tpu.enqueue_indirect_dma source(%dma_start3A_180 : memref<32768xf32, #tpu.memory_space<vmem_shared>>) target(%dma_start3A_175 : memref<128xf32, #tpu.memory_space<vmem>>) offsets(%dma_start3A_178 : memref<128xi32, #tpu.memory_space<vmem>>) semaphore(%arg11 : memref<!tpu.dma_semaphore, #tpu.memory_space<semaphore_mem>>)
    %dma_wait3A_181 = arith.constant 0 : i32
    %dma_wait3A_182 = arith.constant 0 : i32
    %dma_wait3A_183 = arith.constant 0 : i32
    %dma_wait3A_184 = tpu.memref_slice %arg9[%dma_wait3A_182, %dma_wait3A_183] : memref<8x128xf32, #tpu.memory_space<vmem>> -> memref<1x128xf32, #tpu.memory_space<vmem>>
    %dma_wait3A_185 = tpu.memref_squeeze %dma_wait3A_184 : memref<1x128xf32, #tpu.memory_space<vmem>> -> memref<128xf32, #tpu.memory_space<vmem>>
    %dma_wait3A_186 = arith.constant 0 : i32
    %dma_wait3A_187 = tpu.memref_slice %arg8[%dma_wait3A_181, %dma_wait3A_186] : memref<8x128xi32, #tpu.memory_space<vmem>> -> memref<1x128xi32, #tpu.memory_space<vmem>>
    %dma_wait3A_188 = tpu.memref_squeeze %dma_wait3A_187 : memref<1x128xi32, #tpu.memory_space<vmem>> -> memref<128xi32, #tpu.memory_space<vmem>>
    %dma_wait3A_189 = arith.constant 0 : i32
    %dma_wait3A_190 = tpu.memref_slice %arg7[%dma_wait3A_189] : memref<32768xf32, #tpu.memory_space<vmem_shared>> -> memref<32768xf32, #tpu.memory_space<vmem_shared>>
    tpu.wait_indirect_dma semaphore(%arg11 : memref<!tpu.dma_semaphore, #tpu.memory_space<semaphore_mem>>) src(%dma_wait3A_190 : memref<32768xf32, #tpu.memory_space<vmem_shared>>) dst(%dma_wait3A_185 : memref<128xf32, #tpu.memory_space<vmem>>)
    %dma_wait3A_191 = arith.constant 1 : i32
    %dma_wait3A_192 = arith.constant 1 : i32
    %dma_wait3A_193 = arith.constant 0 : i32
    %dma_wait3A_194 = tpu.memref_slice %arg9[%dma_wait3A_192, %dma_wait3A_193] : memref<8x128xf32, #tpu.memory_space<vmem>> -> memref<1x128xf32, #tpu.memory_space<vmem>>
    %dma_wait3A_195 = tpu.memref_squeeze %dma_wait3A_194 : memref<1x128xf32, #tpu.memory_space<vmem>> -> memref<128xf32, #tpu.memory_space<vmem>>
    %dma_wait3A_196 = arith.constant 0 : i32
    %dma_wait3A_197 = tpu.memref_slice %arg8[%dma_wait3A_191, %dma_wait3A_196] : memref<8x128xi32, #tpu.memory_space<vmem>> -> memref<1x128xi32, #tpu.memory_space<vmem>>
    %dma_wait3A_198 = tpu.memref_squeeze %dma_wait3A_197 : memref<1x128xi32, #tpu.memory_space<vmem>> -> memref<128xi32, #tpu.memory_space<vmem>>
    %dma_wait3A_199 = arith.constant 0 : i32
    %dma_wait3A_200 = tpu.memref_slice %arg7[%dma_wait3A_199] : memref<32768xf32, #tpu.memory_space<vmem_shared>> -> memref<32768xf32, #tpu.memory_space<vmem_shared>>
    tpu.wait_indirect_dma semaphore(%arg11 : memref<!tpu.dma_semaphore, #tpu.memory_space<semaphore_mem>>) src(%dma_wait3A_200 : memref<32768xf32, #tpu.memory_space<vmem_shared>>) dst(%dma_wait3A_195 : memref<128xf32, #tpu.memory_space<vmem>>)
    %dma_wait3A_201 = arith.constant 2 : i32
    %dma_wait3A_202 = arith.constant 2 : i32
    %dma_wait3A_203 = arith.constant 0 : i32
    %dma_wait3A_204 = tpu.memref_slice %arg9[%dma_wait3A_202, %dma_wait3A_203] : memref<8x128xf32, #tpu.memory_space<vmem>> -> memref<1x128xf32, #tpu.memory_space<vmem>>
    %dma_wait3A_205 = tpu.memref_squeeze %dma_wait3A_204 : memref<1x128xf32, #tpu.memory_space<vmem>> -> memref<128xf32, #tpu.memory_space<vmem>>
    %dma_wait3A_206 = arith.constant 0 : i32
    %dma_wait3A_207 = tpu.memref_slice %arg8[%dma_wait3A_201, %dma_wait3A_206] : memref<8x128xi32, #tpu.memory_space<vmem>> -> memref<1x128xi32, #tpu.memory_space<vmem>>
    %dma_wait3A_208 = tpu.memref_squeeze %dma_wait3A_207 : memref<1x128xi32, #tpu.memory_space<vmem>> -> memref<128xi32, #tpu.memory_space<vmem>>
    %dma_wait3A_209 = arith.constant 0 : i32
    %dma_wait3A_210 = tpu.memref_slice %arg7[%dma_wait3A_209] : memref<32768xf32, #tpu.memory_space<vmem_shared>> -> memref<32768xf32, #tpu.memory_space<vmem_shared>>
    tpu.wait_indirect_dma semaphore(%arg11 : memref<!tpu.dma_semaphore, #tpu.memory_space<semaphore_mem>>) src(%dma_wait3A_210 : memref<32768xf32, #tpu.memory_space<vmem_shared>>) dst(%dma_wait3A_205 : memref<128xf32, #tpu.memory_space<vmem>>)
    %dma_wait3A_211 = arith.constant 3 : i32
    %dma_wait3A_212 = arith.constant 3 : i32
    %dma_wait3A_213 = arith.constant 0 : i32
    %dma_wait3A_214 = tpu.memref_slice %arg9[%dma_wait3A_212, %dma_wait3A_213] : memref<8x128xf32, #tpu.memory_space<vmem>> -> memref<1x128xf32, #tpu.memory_space<vmem>>
    %dma_wait3A_215 = tpu.memref_squeeze %dma_wait3A_214 : memref<1x128xf32, #tpu.memory_space<vmem>> -> memref<128xf32, #tpu.memory_space<vmem>>
    %dma_wait3A_216 = arith.constant 0 : i32
    %dma_wait3A_217 = tpu.memref_slice %arg8[%dma_wait3A_211, %dma_wait3A_216] : memref<8x128xi32, #tpu.memory_space<vmem>> -> memref<1x128xi32, #tpu.memory_space<vmem>>
    %dma_wait3A_218 = tpu.memref_squeeze %dma_wait3A_217 : memref<1x128xi32, #tpu.memory_space<vmem>> -> memref<128xi32, #tpu.memory_space<vmem>>
    %dma_wait3A_219 = arith.constant 0 : i32
    %dma_wait3A_220 = tpu.memref_slice %arg7[%dma_wait3A_219] : memref<32768xf32, #tpu.memory_space<vmem_shared>> -> memref<32768xf32, #tpu.memory_space<vmem_shared>>
    tpu.wait_indirect_dma semaphore(%arg11 : memref<!tpu.dma_semaphore, #tpu.memory_space<semaphore_mem>>) src(%dma_wait3A_220 : memref<32768xf32, #tpu.memory_space<vmem_shared>>) dst(%dma_wait3A_215 : memref<128xf32, #tpu.memory_space<vmem>>)
    %dma_wait3A_221 = arith.constant 4 : i32
    %dma_wait3A_222 = arith.constant 4 : i32
    %dma_wait3A_223 = arith.constant 0 : i32
    %dma_wait3A_224 = tpu.memref_slice %arg9[%dma_wait3A_222, %dma_wait3A_223] : memref<8x128xf32, #tpu.memory_space<vmem>> -> memref<1x128xf32, #tpu.memory_space<vmem>>
    %dma_wait3A_225 = tpu.memref_squeeze %dma_wait3A_224 : memref<1x128xf32, #tpu.memory_space<vmem>> -> memref<128xf32, #tpu.memory_space<vmem>>
    %dma_wait3A_226 = arith.constant 0 : i32
    %dma_wait3A_227 = tpu.memref_slice %arg8[%dma_wait3A_221, %dma_wait3A_226] : memref<8x128xi32, #tpu.memory_space<vmem>> -> memref<1x128xi32, #tpu.memory_space<vmem>>
    %dma_wait3A_228 = tpu.memref_squeeze %dma_wait3A_227 : memref<1x128xi32, #tpu.memory_space<vmem>> -> memref<128xi32, #tpu.memory_space<vmem>>
    %dma_wait3A_229 = arith.constant 0 : i32
    %dma_wait3A_230 = tpu.memref_slice %arg7[%dma_wait3A_229] : memref<32768xf32, #tpu.memory_space<vmem_shared>> -> memref<32768xf32, #tpu.memory_space<vmem_shared>>
    tpu.wait_indirect_dma semaphore(%arg11 : memref<!tpu.dma_semaphore, #tpu.memory_space<semaphore_mem>>) src(%dma_wait3A_230 : memref<32768xf32, #tpu.memory_space<vmem_shared>>) dst(%dma_wait3A_225 : memref<128xf32, #tpu.memory_space<vmem>>)
    %dma_wait3A_231 = arith.constant 5 : i32
    %dma_wait3A_232 = arith.constant 5 : i32
    %dma_wait3A_233 = arith.constant 0 : i32
    %dma_wait3A_234 = tpu.memref_slice %arg9[%dma_wait3A_232, %dma_wait3A_233] : memref<8x128xf32, #tpu.memory_space<vmem>> -> memref<1x128xf32, #tpu.memory_space<vmem>>
    %dma_wait3A_235 = tpu.memref_squeeze %dma_wait3A_234 : memref<1x128xf32, #tpu.memory_space<vmem>> -> memref<128xf32, #tpu.memory_space<vmem>>
    %dma_wait3A_236 = arith.constant 0 : i32
    %dma_wait3A_237 = tpu.memref_slice %arg8[%dma_wait3A_231, %dma_wait3A_236] : memref<8x128xi32, #tpu.memory_space<vmem>> -> memref<1x128xi32, #tpu.memory_space<vmem>>
    %dma_wait3A_238 = tpu.memref_squeeze %dma_wait3A_237 : memref<1x128xi32, #tpu.memory_space<vmem>> -> memref<128xi32, #tpu.memory_space<vmem>>
    %dma_wait3A_239 = arith.constant 0 : i32
    %dma_wait3A_240 = tpu.memref_slice %arg7[%dma_wait3A_239] : memref<32768xf32, #tpu.memory_space<vmem_shared>> -> memref<32768xf32, #tpu.memory_space<vmem_shared>>
    tpu.wait_indirect_dma semaphore(%arg11 : memref<!tpu.dma_semaphore, #tpu.memory_space<semaphore_mem>>) src(%dma_wait3A_240 : memref<32768xf32, #tpu.memory_space<vmem_shared>>) dst(%dma_wait3A_235 : memref<128xf32, #tpu.memory_space<vmem>>)
    %dma_wait3A_241 = arith.constant 6 : i32
    %dma_wait3A_242 = arith.constant 6 : i32
    %dma_wait3A_243 = arith.constant 0 : i32
    %dma_wait3A_244 = tpu.memref_slice %arg9[%dma_wait3A_242, %dma_wait3A_243] : memref<8x128xf32, #tpu.memory_space<vmem>> -> memref<1x128xf32, #tpu.memory_space<vmem>>
    %dma_wait3A_245 = tpu.memref_squeeze %dma_wait3A_244 : memref<1x128xf32, #tpu.memory_space<vmem>> -> memref<128xf32, #tpu.memory_space<vmem>>
    %dma_wait3A_246 = arith.constant 0 : i32
    %dma_wait3A_247 = tpu.memref_slice %arg8[%dma_wait3A_241, %dma_wait3A_246] : memref<8x128xi32, #tpu.memory_space<vmem>> -> memref<1x128xi32, #tpu.memory_space<vmem>>
    %dma_wait3A_248 = tpu.memref_squeeze %dma_wait3A_247 : memref<1x128xi32, #tpu.memory_space<vmem>> -> memref<128xi32, #tpu.memory_space<vmem>>
    %dma_wait3A_249 = arith.constant 0 : i32
    %dma_wait3A_250 = tpu.memref_slice %arg7[%dma_wait3A_249] : memref<32768xf32, #tpu.memory_space<vmem_shared>> -> memref<32768xf32, #tpu.memory_space<vmem_shared>>
    tpu.wait_indirect_dma semaphore(%arg11 : memref<!tpu.dma_semaphore, #tpu.memory_space<semaphore_mem>>) src(%dma_wait3A_250 : memref<32768xf32, #tpu.memory_space<vmem_shared>>) dst(%dma_wait3A_245 : memref<128xf32, #tpu.memory_space<vmem>>)
    %dma_wait3A_251 = arith.constant 7 : i32
    %dma_wait3A_252 = arith.constant 7 : i32
    %dma_wait3A_253 = arith.constant 0 : i32
    %dma_wait3A_254 = tpu.memref_slice %arg9[%dma_wait3A_252, %dma_wait3A_253] : memref<8x128xf32, #tpu.memory_space<vmem>> -> memref<1x128xf32, #tpu.memory_space<vmem>>
    %dma_wait3A_255 = tpu.memref_squeeze %dma_wait3A_254 : memref<1x128xf32, #tpu.memory_space<vmem>> -> memref<128xf32, #tpu.memory_space<vmem>>
    %dma_wait3A_256 = arith.constant 0 : i32
    %dma_wait3A_257 = tpu.memref_slice %arg8[%dma_wait3A_251, %dma_wait3A_256] : memref<8x128xi32, #tpu.memory_space<vmem>> -> memref<1x128xi32, #tpu.memory_space<vmem>>
    %dma_wait3A_258 = tpu.memref_squeeze %dma_wait3A_257 : memref<1x128xi32, #tpu.memory_space<vmem>> -> memref<128xi32, #tpu.memory_space<vmem>>
    %dma_wait3A_259 = arith.constant 0 : i32
    %dma_wait3A_260 = tpu.memref_slice %arg7[%dma_wait3A_259] : memref<32768xf32, #tpu.memory_space<vmem_shared>> -> memref<32768xf32, #tpu.memory_space<vmem_shared>>
    tpu.wait_indirect_dma semaphore(%arg11 : memref<!tpu.dma_semaphore, #tpu.memory_space<semaphore_mem>>) src(%dma_wait3A_260 : memref<32768xf32, #tpu.memory_space<vmem_shared>>) dst(%dma_wait3A_255 : memref<128xf32, #tpu.memory_space<vmem>>)
    %dma_start3A_261 = arith.constant 0 : i32
    %dma_start3A_262 = arith.constant 0 : i32
    %dma_start3A_263 = tpu.memref_slice %arg5[%add3A, %dma_start3A_261, %dma_start3A_262] : memref<32x8x128xf32, #tpu.memory_space<hbm>> -> memref<1x8x128xf32, #tpu.memory_space<hbm>>
    %dma_start3A_264 = tpu.memref_squeeze %dma_start3A_263 : memref<1x8x128xf32, #tpu.memory_space<hbm>> -> memref<8x128xf32, #tpu.memory_space<hbm>>
    %dma_start3A_265 = arith.constant 0 : i32
    %dma_start3A_266 = arith.constant 0 : i32
    %dma_start3A_267 = tpu.memref_slice %arg5[%add3A, %dma_start3A_265, %dma_start3A_266] : memref<32x8x128xf32, #tpu.memory_space<hbm>> -> memref<1x8x128xf32, #tpu.memory_space<hbm>>
    %dma_start3A_268 = tpu.memref_squeeze %dma_start3A_267 : memref<1x8x128xf32, #tpu.memory_space<hbm>> -> memref<8x128xf32, #tpu.memory_space<hbm>>
    tpu.enqueue_dma source(%arg9 : memref<8x128xf32, #tpu.memory_space<vmem>>) target(%dma_start3A_268 : memref<8x128xf32, #tpu.memory_space<hbm>>) target_semaphore(%arg11 : memref<!tpu.dma_semaphore, #tpu.memory_space<semaphore_mem>>)
    %dma_wait3A_269 = arith.constant 0 : i32
    %dma_wait3A_270 = arith.constant 0 : i32
    %dma_wait3A_271 = arith.constant 0 : i32
    %dma_wait3A_272 = tpu.memref_slice %arg10[%dma_wait3A_270, %dma_wait3A_271] : memref<8x128xf32, #tpu.memory_space<vmem>> -> memref<1x128xf32, #tpu.memory_space<vmem>>
    %dma_wait3A_273 = tpu.memref_squeeze %dma_wait3A_272 : memref<1x128xf32, #tpu.memory_space<vmem>> -> memref<128xf32, #tpu.memory_space<vmem>>
    %dma_wait3A_274 = arith.constant 0 : i32
    %dma_wait3A_275 = tpu.memref_slice %arg8[%dma_wait3A_269, %dma_wait3A_274] : memref<8x128xi32, #tpu.memory_space<vmem>> -> memref<1x128xi32, #tpu.memory_space<vmem>>
    %dma_wait3A_276 = tpu.memref_squeeze %dma_wait3A_275 : memref<1x128xi32, #tpu.memory_space<vmem>> -> memref<128xi32, #tpu.memory_space<vmem>>
    %dma_wait3A_277 = arith.constant 0 : i32
    %dma_wait3A_278 = tpu.memref_slice %arg4[%dma_wait3A_277] : memref<32768xf32, #tpu.memory_space<hbm>> -> memref<32768xf32, #tpu.memory_space<hbm>>
    tpu.wait_indirect_dma semaphore(%arg12 : memref<!tpu.dma_semaphore, #tpu.memory_space<semaphore_mem>>) src(%dma_wait3A_278 : memref<32768xf32, #tpu.memory_space<hbm>>) dst(%dma_wait3A_273 : memref<128xf32, #tpu.memory_space<vmem>>)
    %dma_wait3A_279 = arith.constant 1 : i32
    %dma_wait3A_280 = arith.constant 1 : i32
    %dma_wait3A_281 = arith.constant 0 : i32
    %dma_wait3A_282 = tpu.memref_slice %arg10[%dma_wait3A_280, %dma_wait3A_281] : memref<8x128xf32, #tpu.memory_space<vmem>> -> memref<1x128xf32, #tpu.memory_space<vmem>>
    %dma_wait3A_283 = tpu.memref_squeeze %dma_wait3A_282 : memref<1x128xf32, #tpu.memory_space<vmem>> -> memref<128xf32, #tpu.memory_space<vmem>>
    %dma_wait3A_284 = arith.constant 0 : i32
    %dma_wait3A_285 = tpu.memref_slice %arg8[%dma_wait3A_279, %dma_wait3A_284] : memref<8x128xi32, #tpu.memory_space<vmem>> -> memref<1x128xi32, #tpu.memory_space<vmem>>
    %dma_wait3A_286 = tpu.memref_squeeze %dma_wait3A_285 : memref<1x128xi32, #tpu.memory_space<vmem>> -> memref<128xi32, #tpu.memory_space<vmem>>
    %dma_wait3A_287 = arith.constant 0 : i32
    %dma_wait3A_288 = tpu.memref_slice %arg4[%dma_wait3A_287] : memref<32768xf32, #tpu.memory_space<hbm>> -> memref<32768xf32, #tpu.memory_space<hbm>>
    tpu.wait_indirect_dma semaphore(%arg12 : memref<!tpu.dma_semaphore, #tpu.memory_space<semaphore_mem>>) src(%dma_wait3A_288 : memref<32768xf32, #tpu.memory_space<hbm>>) dst(%dma_wait3A_283 : memref<128xf32, #tpu.memory_space<vmem>>)
    %dma_wait3A_289 = arith.constant 2 : i32
    %dma_wait3A_290 = arith.constant 2 : i32
    %dma_wait3A_291 = arith.constant 0 : i32
    %dma_wait3A_292 = tpu.memref_slice %arg10[%dma_wait3A_290, %dma_wait3A_291] : memref<8x128xf32, #tpu.memory_space<vmem>> -> memref<1x128xf32, #tpu.memory_space<vmem>>
    %dma_wait3A_293 = tpu.memref_squeeze %dma_wait3A_292 : memref<1x128xf32, #tpu.memory_space<vmem>> -> memref<128xf32, #tpu.memory_space<vmem>>
    %dma_wait3A_294 = arith.constant 0 : i32
    %dma_wait3A_295 = tpu.memref_slice %arg8[%dma_wait3A_289, %dma_wait3A_294] : memref<8x128xi32, #tpu.memory_space<vmem>> -> memref<1x128xi32, #tpu.memory_space<vmem>>
    %dma_wait3A_296 = tpu.memref_squeeze %dma_wait3A_295 : memref<1x128xi32, #tpu.memory_space<vmem>> -> memref<128xi32, #tpu.memory_space<vmem>>
    %dma_wait3A_297 = arith.constant 0 : i32
    %dma_wait3A_298 = tpu.memref_slice %arg4[%dma_wait3A_297] : memref<32768xf32, #tpu.memory_space<hbm>> -> memref<32768xf32, #tpu.memory_space<hbm>>
    tpu.wait_indirect_dma semaphore(%arg12 : memref<!tpu.dma_semaphore, #tpu.memory_space<semaphore_mem>>) src(%dma_wait3A_298 : memref<32768xf32, #tpu.memory_space<hbm>>) dst(%dma_wait3A_293 : memref<128xf32, #tpu.memory_space<vmem>>)
    %dma_wait3A_299 = arith.constant 3 : i32
    %dma_wait3A_300 = arith.constant 3 : i32
    %dma_wait3A_301 = arith.constant 0 : i32
    %dma_wait3A_302 = tpu.memref_slice %arg10[%dma_wait3A_300, %dma_wait3A_301] : memref<8x128xf32, #tpu.memory_space<vmem>> -> memref<1x128xf32, #tpu.memory_space<vmem>>
    %dma_wait3A_303 = tpu.memref_squeeze %dma_wait3A_302 : memref<1x128xf32, #tpu.memory_space<vmem>> -> memref<128xf32, #tpu.memory_space<vmem>>
    %dma_wait3A_304 = arith.constant 0 : i32
    %dma_wait3A_305 = tpu.memref_slice %arg8[%dma_wait3A_299, %dma_wait3A_304] : memref<8x128xi32, #tpu.memory_space<vmem>> -> memref<1x128xi32, #tpu.memory_space<vmem>>
    %dma_wait3A_306 = tpu.memref_squeeze %dma_wait3A_305 : memref<1x128xi32, #tpu.memory_space<vmem>> -> memref<128xi32, #tpu.memory_space<vmem>>
    %dma_wait3A_307 = arith.constant 0 : i32
    %dma_wait3A_308 = tpu.memref_slice %arg4[%dma_wait3A_307] : memref<32768xf32, #tpu.memory_space<hbm>> -> memref<32768xf32, #tpu.memory_space<hbm>>
    tpu.wait_indirect_dma semaphore(%arg12 : memref<!tpu.dma_semaphore, #tpu.memory_space<semaphore_mem>>) src(%dma_wait3A_308 : memref<32768xf32, #tpu.memory_space<hbm>>) dst(%dma_wait3A_303 : memref<128xf32, #tpu.memory_space<vmem>>)
    %dma_wait3A_309 = arith.constant 4 : i32
    %dma_wait3A_310 = arith.constant 4 : i32
    %dma_wait3A_311 = arith.constant 0 : i32
    %dma_wait3A_312 = tpu.memref_slice %arg10[%dma_wait3A_310, %dma_wait3A_311] : memref<8x128xf32, #tpu.memory_space<vmem>> -> memref<1x128xf32, #tpu.memory_space<vmem>>
    %dma_wait3A_313 = tpu.memref_squeeze %dma_wait3A_312 : memref<1x128xf32, #tpu.memory_space<vmem>> -> memref<128xf32, #tpu.memory_space<vmem>>
    %dma_wait3A_314 = arith.constant 0 : i32
    %dma_wait3A_315 = tpu.memref_slice %arg8[%dma_wait3A_309, %dma_wait3A_314] : memref<8x128xi32, #tpu.memory_space<vmem>> -> memref<1x128xi32, #tpu.memory_space<vmem>>
    %dma_wait3A_316 = tpu.memref_squeeze %dma_wait3A_315 : memref<1x128xi32, #tpu.memory_space<vmem>> -> memref<128xi32, #tpu.memory_space<vmem>>
    %dma_wait3A_317 = arith.constant 0 : i32
    %dma_wait3A_318 = tpu.memref_slice %arg4[%dma_wait3A_317] : memref<32768xf32, #tpu.memory_space<hbm>> -> memref<32768xf32, #tpu.memory_space<hbm>>
    tpu.wait_indirect_dma semaphore(%arg12 : memref<!tpu.dma_semaphore, #tpu.memory_space<semaphore_mem>>) src(%dma_wait3A_318 : memref<32768xf32, #tpu.memory_space<hbm>>) dst(%dma_wait3A_313 : memref<128xf32, #tpu.memory_space<vmem>>)
    %dma_wait3A_319 = arith.constant 5 : i32
    %dma_wait3A_320 = arith.constant 5 : i32
    %dma_wait3A_321 = arith.constant 0 : i32
    %dma_wait3A_322 = tpu.memref_slice %arg10[%dma_wait3A_320, %dma_wait3A_321] : memref<8x128xf32, #tpu.memory_space<vmem>> -> memref<1x128xf32, #tpu.memory_space<vmem>>
    %dma_wait3A_323 = tpu.memref_squeeze %dma_wait3A_322 : memref<1x128xf32, #tpu.memory_space<vmem>> -> memref<128xf32, #tpu.memory_space<vmem>>
    %dma_wait3A_324 = arith.constant 0 : i32
    %dma_wait3A_325 = tpu.memref_slice %arg8[%dma_wait3A_319, %dma_wait3A_324] : memref<8x128xi32, #tpu.memory_space<vmem>> -> memref<1x128xi32, #tpu.memory_space<vmem>>
    %dma_wait3A_326 = tpu.memref_squeeze %dma_wait3A_325 : memref<1x128xi32, #tpu.memory_space<vmem>> -> memref<128xi32, #tpu.memory_space<vmem>>
    %dma_wait3A_327 = arith.constant 0 : i32
    %dma_wait3A_328 = tpu.memref_slice %arg4[%dma_wait3A_327] : memref<32768xf32, #tpu.memory_space<hbm>> -> memref<32768xf32, #tpu.memory_space<hbm>>
    tpu.wait_indirect_dma semaphore(%arg12 : memref<!tpu.dma_semaphore, #tpu.memory_space<semaphore_mem>>) src(%dma_wait3A_328 : memref<32768xf32, #tpu.memory_space<hbm>>) dst(%dma_wait3A_323 : memref<128xf32, #tpu.memory_space<vmem>>)
    %dma_wait3A_329 = arith.constant 6 : i32
    %dma_wait3A_330 = arith.constant 6 : i32
    %dma_wait3A_331 = arith.constant 0 : i32
    %dma_wait3A_332 = tpu.memref_slice %arg10[%dma_wait3A_330, %dma_wait3A_331] : memref<8x128xf32, #tpu.memory_space<vmem>> -> memref<1x128xf32, #tpu.memory_space<vmem>>
    %dma_wait3A_333 = tpu.memref_squeeze %dma_wait3A_332 : memref<1x128xf32, #tpu.memory_space<vmem>> -> memref<128xf32, #tpu.memory_space<vmem>>
    %dma_wait3A_334 = arith.constant 0 : i32
    %dma_wait3A_335 = tpu.memref_slice %arg8[%dma_wait3A_329, %dma_wait3A_334] : memref<8x128xi32, #tpu.memory_space<vmem>> -> memref<1x128xi32, #tpu.memory_space<vmem>>
    %dma_wait3A_336 = tpu.memref_squeeze %dma_wait3A_335 : memref<1x128xi32, #tpu.memory_space<vmem>> -> memref<128xi32, #tpu.memory_space<vmem>>
    %dma_wait3A_337 = arith.constant 0 : i32
    %dma_wait3A_338 = tpu.memref_slice %arg4[%dma_wait3A_337] : memref<32768xf32, #tpu.memory_space<hbm>> -> memref<32768xf32, #tpu.memory_space<hbm>>
    tpu.wait_indirect_dma semaphore(%arg12 : memref<!tpu.dma_semaphore, #tpu.memory_space<semaphore_mem>>) src(%dma_wait3A_338 : memref<32768xf32, #tpu.memory_space<hbm>>) dst(%dma_wait3A_333 : memref<128xf32, #tpu.memory_space<vmem>>)
    %dma_wait3A_339 = arith.constant 7 : i32
    %dma_wait3A_340 = arith.constant 7 : i32
    %dma_wait3A_341 = arith.constant 0 : i32
    %dma_wait3A_342 = tpu.memref_slice %arg10[%dma_wait3A_340, %dma_wait3A_341] : memref<8x128xf32, #tpu.memory_space<vmem>> -> memref<1x128xf32, #tpu.memory_space<vmem>>
    %dma_wait3A_343 = tpu.memref_squeeze %dma_wait3A_342 : memref<1x128xf32, #tpu.memory_space<vmem>> -> memref<128xf32, #tpu.memory_space<vmem>>
    %dma_wait3A_344 = arith.constant 0 : i32
    %dma_wait3A_345 = tpu.memref_slice %arg8[%dma_wait3A_339, %dma_wait3A_344] : memref<8x128xi32, #tpu.memory_space<vmem>> -> memref<1x128xi32, #tpu.memory_space<vmem>>
    %dma_wait3A_346 = tpu.memref_squeeze %dma_wait3A_345 : memref<1x128xi32, #tpu.memory_space<vmem>> -> memref<128xi32, #tpu.memory_space<vmem>>
    %dma_wait3A_347 = arith.constant 0 : i32
    %dma_wait3A_348 = tpu.memref_slice %arg4[%dma_wait3A_347] : memref<32768xf32, #tpu.memory_space<hbm>> -> memref<32768xf32, #tpu.memory_space<hbm>>
    tpu.wait_indirect_dma semaphore(%arg12 : memref<!tpu.dma_semaphore, #tpu.memory_space<semaphore_mem>>) src(%dma_wait3A_348 : memref<32768xf32, #tpu.memory_space<hbm>>) dst(%dma_wait3A_343 : memref<128xf32, #tpu.memory_space<vmem>>)
    %dma_start3A_349 = arith.constant 0 : i32
    %dma_start3A_350 = arith.constant 0 : i32
    %dma_start3A_351 = tpu.memref_slice %arg6[%add3A, %dma_start3A_349, %dma_start3A_350] : memref<32x8x128xf32, #tpu.memory_space<hbm>> -> memref<1x8x128xf32, #tpu.memory_space<hbm>>
    %dma_start3A_352 = tpu.memref_squeeze %dma_start3A_351 : memref<1x8x128xf32, #tpu.memory_space<hbm>> -> memref<8x128xf32, #tpu.memory_space<hbm>>
    %dma_start3A_353 = arith.constant 0 : i32
    %dma_start3A_354 = arith.constant 0 : i32
    %dma_start3A_355 = tpu.memref_slice %arg6[%add3A, %dma_start3A_353, %dma_start3A_354] : memref<32x8x128xf32, #tpu.memory_space<hbm>> -> memref<1x8x128xf32, #tpu.memory_space<hbm>>
    %dma_start3A_356 = tpu.memref_squeeze %dma_start3A_355 : memref<1x8x128xf32, #tpu.memory_space<hbm>> -> memref<8x128xf32, #tpu.memory_space<hbm>>
    tpu.enqueue_dma source(%arg10 : memref<8x128xf32, #tpu.memory_space<vmem>>) target(%dma_start3A_356 : memref<8x128xf32, #tpu.memory_space<hbm>>) target_semaphore(%arg12 : memref<!tpu.dma_semaphore, #tpu.memory_space<semaphore_mem>>)
    %dma_wait3A_357 = arith.constant 0 : i32
    %dma_wait3A_358 = arith.constant 0 : i32
    %dma_wait3A_359 = tpu.memref_slice %arg5[%add3A, %dma_wait3A_357, %dma_wait3A_358] : memref<32x8x128xf32, #tpu.memory_space<hbm>> -> memref<1x8x128xf32, #tpu.memory_space<hbm>>
    %dma_wait3A_360 = tpu.memref_squeeze %dma_wait3A_359 : memref<1x8x128xf32, #tpu.memory_space<hbm>> -> memref<8x128xf32, #tpu.memory_space<hbm>>
    %dma_wait3A_361 = arith.constant 0 : i32
    %dma_wait3A_362 = arith.constant 0 : i32
    %dma_wait3A_363 = tpu.memref_slice %arg5[%add3A, %dma_wait3A_361, %dma_wait3A_362] : memref<32x8x128xf32, #tpu.memory_space<hbm>> -> memref<1x8x128xf32, #tpu.memory_space<hbm>>
    %dma_wait3A_364 = tpu.memref_squeeze %dma_wait3A_363 : memref<1x8x128xf32, #tpu.memory_space<hbm>> -> memref<8x128xf32, #tpu.memory_space<hbm>>
    tpu.wait_dma2 semaphore(%arg11 : memref<!tpu.dma_semaphore, #tpu.memory_space<semaphore_mem>>) src(%arg9 : memref<8x128xf32, #tpu.memory_space<vmem>>) dst(%dma_wait3A_364 : memref<8x128xf32, #tpu.memory_space<hbm>>)
    %dma_wait3A_365 = arith.constant 0 : i32
    %dma_wait3A_366 = arith.constant 0 : i32
    %dma_wait3A_367 = tpu.memref_slice %arg6[%add3A, %dma_wait3A_365, %dma_wait3A_366] : memref<32x8x128xf32, #tpu.memory_space<hbm>> -> memref<1x8x128xf32, #tpu.memory_space<hbm>>
    %dma_wait3A_368 = tpu.memref_squeeze %dma_wait3A_367 : memref<1x8x128xf32, #tpu.memory_space<hbm>> -> memref<8x128xf32, #tpu.memory_space<hbm>>
    %dma_wait3A_369 = arith.constant 0 : i32
    %dma_wait3A_370 = arith.constant 0 : i32
    %dma_wait3A_371 = tpu.memref_slice %arg6[%add3A, %dma_wait3A_369, %dma_wait3A_370] : memref<32x8x128xf32, #tpu.memory_space<hbm>> -> memref<1x8x128xf32, #tpu.memory_space<hbm>>
    %dma_wait3A_372 = tpu.memref_squeeze %dma_wait3A_371 : memref<1x8x128xf32, #tpu.memory_space<hbm>> -> memref<8x128xf32, #tpu.memory_space<hbm>>
    tpu.wait_dma2 semaphore(%arg12 : memref<!tpu.dma_semaphore, #tpu.memory_space<semaphore_mem>>) src(%arg10 : memref<8x128xf32, #tpu.memory_space<vmem>>) dst(%dma_wait3A_372 : memref<8x128xf32, #tpu.memory_space<hbm>>)
    return
  }
}

</mosaic_0001>

<sc_bundles>
// kernel: kernel.3.cloned.1.call-start
scs
__scs_entry_jumppad:
0x0: {  	(pc) =	sbr.rel $0x88, $3  }
0x1: {  	(tag) =	ssettag $0x0;
	lr =	simm.s32 $0x1  }
0x2: {  	[smem:$0x3F9E] =	sst lr;
	_ =	strace $0xD0000000  }
0x3: {  	_ = 	snop  }
0x4: {  	_ = 	snop  }
0x5: {  	_ = 	snop  }
0x6: {  	_ = 	snop  }
0x7: {  	_ = 	snop  }
__scs_overlays_trampoline_lowered:
0x8: {  	[smem:$0x3FAD] =	sst s0  }
0x9: {  	[smem:$0x3FAE] =	sst s1  }
0xa: {  	[smem:$0x3FAF] =	sst s2  }
0xb: {  	[smem:$0x3FB0] =	sst s3  }
0xc: {  	[smem:$0x3FB1] =	sst s4  }
0xd: {  	[smem:$0x3FB2] =	sst s5  }
0xe: {  	[smem:$0x3FB3] =	sst s6  }
0xf: {  	[smem:$0x3FB4] =	sst s7  }
0x10: {  	[smem:$0x3FB5] =	sst s8  }
0x11: {  	[smem:$0x3FB6] =	sst s9;
	s0 =	simm.s32 @!p0 $0x0  }
0x12: {  	s1 =	sld [smem:$0x3F9C];
	s0 =	simm.s32 @p0 $0x1  }
0x13: {  	[smem:$0x3FB7] =	sst s0;
	s0 =	simm.s32 @!p1 $0x0  }
0x14: {  	s2 =	sld [smem:$0x3F9B];
	s0 =	simm.s32 @p1 $0x1  }
0x15: {  	[smem:$0x3FB8] =	sst s0;
	s0 =	simm.s32 @!p2 $0x0  }
0x16: {  	s3 =	sld [smem:$0x3FDB];
	s0 =	simm.s32 @p2 $0x1  }
0x17: {  	s4 =	simm.s32 $0x1BF5;
	[smem:$0x3FBA] =	sst s0  }
0x18: {  	s0 =	sld [smem:$0x3F9D];
	_ =	swait.ge [sflag:s4], $0x0  }
0x19: {  	s7 =	sld [smem:$0x3F9E]  }
0x1a: {  	s8 =	sadd.s32 $0xFFFFE003, lr  }
0x1b: {  	s9 =	sadd.s32 $0xFFFFFEF7, lr;
	s5 =	simm.s32 $0xFFFFFFFF;
	p2 =	slt.u32 s8, $0xFFFFF086  }
0x1c: {  	p1 =	slt.u32 s9, $0xF7A;
	s5 =	simm.s32 @!p2 $0x0  }
0x1d: {  	s5 =	simm.s32 @p1 $0x1;
	p0 =	seq.s32 s7, s2  }
0x1e: {  	s7 =	smul.u32 @!p0 $0xF7A, s2;
	p2 =	seq.s32 @!p0 s5, $0x0  }
0x1f: {  	s9 =	smul.u32 $0xF7A, s1;
	s8 =	simm.s32 @!p0 $0x1BF5;
	p2 =	por !p2, p0  }
0x20: {  	[sflag:s8] =	ssyncset.s32 @!p0 $0xFFFFF086;
	s6 =	sadd.s32 @!p0 s3, s7;
	s7 =	simm.s32 @!p0 $0x108  }
0x21: {  	s3 =	sadd.s32 s3, s9;
	s6 =	sadd.s32 @!p0 $0x88, s6;
	s7 =	simm.s32 @p2 $0x1082  }
0x22: {  	[simem:s7], [sflag:s8] =	dma.local @!p0 [hbm:s6], $0xF7A  }
0x23: {  	s9 =	sor.u32 $0xD0000000, s2;
	s6 =	simm.s32 $0x108;
	_ =	swait.ge @!p0 [sflag:s8], $0x0  }
0x24: {  	s3 =	sadd.s32 $0x88, s3;
	s6 =	simm.s32 @!p1 $0x1082;
	[sflag:s4] =	ssyncset.s32 $0xFFFFF086  }
0x25: {  	[simem:s6], [sflag:s4] =	dma.local [hbm:s3], $0xF7A  }
0x26: {  	[smem:$0x3F9E] =	sst s1;
	(tag) =	ssettag s2;
	_ =	strace s9  }
0x27: {  	s1 =	sld [smem:$0x3FAE]  }
0x28: {  	s2 =	sld [smem:$0x3FAF]  }
0x29: {  	s4 =	sld [smem:$0x3FB1]  }
0x2a: {  	p0 =	seq.s32 s5, $0x0;
	s5 =	sld [smem:$0x3FB2]  }
0x2b: {  	s6 =	sld [smem:$0x3FB3]  }
0x2c: {  	s7 =	sld [smem:$0x3FB4]  }
0x2d: {  	s3 =	simm.s32 $0x108;
	s8 =	sld [smem:$0x3FB5]  }
0x2e: {  	s3 =	simm.s32 @!p0 $0x1082;
	s9 =	sld [smem:$0x3FB6]  }
0x2f: {  	lr =	sadd.s32 s0, s3;
	s0 =	sld [smem:$0x3FAD]  }
0x30: {  	s3 =	sld [smem:$0x3FB0]  }
0x31: {  	[smem:$0x3FB9] =	sst s10  }
0x32: {  	s10 =	sld [smem:$0x3FB7];
	_ =	sdelay $0x3  }
0x33: {  	p0 =	seq.s32 s10, $0x1;
	s10 =	sld [smem:$0x3FB9];
	_ =	sdelay $0x3  }
0x34: {  	[smem:$0x3FB9] =	sst s10  }
0x35: {  	s10 =	sld [smem:$0x3FB8];
	_ =	sdelay $0x3  }
0x36: {  	p1 =	seq.s32 s10, $0x1;
	s10 =	sld [smem:$0x3FB9];
	_ =	sdelay $0x3  }
0x37: {  	[smem:$0x3FB9] =	sst s10  }
0x38: {  	s10 =	sld [smem:$0x3FBA]  }
0x39: {  	_ = 	snop;
	(pc) =	sbr.ind lr, $3  }
0x3a: {  	_ = 	snop  }
0x3b: {  	_ = 	snop  }
0x3c: {  	p2 =	seq.s32 s10, $0x1;
	s10 =	sld [smem:$0x3FB9]  }
0x3d: {  	_ =	shalt  }
0x3e: {  	_ =	shalt  }
0x3f: {  	_ =	shalt  }
0x40: {  	_ =	shalt  }
0x41: {  	_ =	shalt  }
0x42: {  	_ =	shalt  }
0x43: {  	_ =	shalt  }
0x44: {  	_ =	shalt  }
0x45: {  	_ =	shalt  }
0x46: {  	_ =	shalt  }
0x47: {  	_ =	shalt  }
0x48: {  	_ =	shalt  }
0x49: {  	_ =	shalt  }
0x4a: {  	_ =	shalt  }
0x4b: {  	_ =	shalt  }
0x4c: {  	_ =	shalt  }
0x4d: {  	_ =	shalt  }
0x4e: {  	_ =	shalt  }
0x4f: {  	_ =	shalt  }
0x50: {  	_ =	shalt  }
0x51: {  	_ =	shalt  }
0x52: {  	_ =	shalt  }
0x53: {  	_ =	shalt  }
0x54: {  	_ =	shalt  }
0x55: {  	_ =	shalt  }
0x56: {  	_ =	shalt  }
0x57: {  	_ =	shalt  }
0x58: {  	_ =	shalt  }
0x59: {  	_ =	shalt  }
0x5a: {  	_ =	shalt  }
0x5b: {  	_ =	shalt  }
0x5c: {  	_ =	shalt  }
0x5d: {  	_ =	shalt  }
0x5e: {  	_ =	shalt  }
0x5f: {  	_ =	shalt  }
0x60: {  	_ =	shalt  }
0x61: {  	_ =	shalt  }
0x62: {  	_ =	shalt  }
0x63: {  	_ =	shalt  }
0x64: {  	_ =	shalt  }
0x65: {  	_ =	shalt  }
0x66: {  	_ =	shalt  }
0x67: {  	_ =	shalt  }
0x68: {  	_ =	shalt  }
0x69: {  	_ =	shalt  }
0x6a: {  	_ =	shalt  }
0x6b: {  	_ =	shalt  }
0x6c: {  	_ =	shalt  }
0x6d: {  	_ =	shalt  }
0x6e: {  	_ =	shalt  }
0x6f: {  	_ =	shalt  }
0x70: {  	_ =	shalt  }
0x71: {  	_ =	shalt  }
0x72: {  	_ =	shalt  }
0x73: {  	_ =	shalt  }
0x74: {  	_ =	shalt  }
0x75: {  	_ =	shalt  }
0x76: {  	_ =	shalt  }
0x77: {  	_ =	shalt  }
0x78: {  	_ =	shalt  }
0x79: {  	_ =	shalt  }
0x7a: {  	_ =	shalt  }
0x7b: {  	_ =	shalt  }
0x7c: {  	_ =	shalt  }
0x7d: {  	_ =	shalt  }
0x7e: {  	_ =	shalt  }
0x7f: {  	_ =	shalt  }
0x80: {  	_ =	shalt  }
0x81: {  	_ =	shalt  }
0x82: {  	_ =	shalt  }
0x83: {  	_ =	shalt  }
0x84: {  	_ =	shalt  }
0x85: {  	_ =	shalt  }
0x86: {  	_ =	shalt  }
0x87: {  	_ =	shalt  }
.Lfunc_end0:
.L_simem_size_0:
called_computation_lowered:
.L_overlay_start_0:
0x88: {  	s2 =	sld [smem:$0x3FD9]  }
0x89: {  	s3 =	sld [smem:$0x3FFE];
	_ =	sdelay $0x1  }
0x8a: {  	s1 =	srdreg.scid  }
0x8b: {  	s0 =	sand.u32 $0x1, s1  }
0x8c: {  	s15 =	sshll.u32 s0, $0xA;
	s2 =	sadd.s32 s3, s2  }
0x8d: {  	s2 =	sadd.s32 s2, s15  }
0x8e: {  	[smem:$0x3FC5] =	sst s2  }
0x8f: {  	_ = 	snop  }
0x90: {  	s2 =	sld [smem:$0x3FD0]  }
0x91: {  	s16 =	sld [smem:$0x3FC9]  }
0x92: {  	s4 =	sld [smem:$0x3FC8]  }
0x93: {  	s6 =	simm.s32 $0xA;
	s7 =	simm.s32 $0x10;
	s5 =	sld [smem:$0x3FC7]  }
0x94: {  	[smem:s7], [sflag:s6] =	dma.local [hbm:s2], $0x1  }
0x95: {  	_ =	swait.eq [sflag:s6], $0x1  }
0x96: {  	[sflag:s6] =	ssyncset.done $0x0  }
0x97: {  	s17 =	sld [smem:$0x10];
	[sflag:s6] =	ssyncadd.s32 $0xFFFFFFFF  }
0x98: {  	s18 =	sld [smem:$0x11];
	(tm) =	ssettm $0x1  }
0x99: {  	s19 =	sld [smem:$0x3FFB];
	_ =	sdelay $0x3  }
0x9a: {  	_ =	strace s19  }
0x9b: {  	s7 =	sld [smem:$0x3FFC];
	_ =	sdelay $0x3  }
0x9c: {  	_ =	strace s7  }
0x9d: {  	s7 =	sld [smem:$0x3FFD];
	_ =	sdelay $0x3  }
0x9e: {  	_ =	strace s7  }
0x9f: {  	_ =	strace $0x8FFFFFFF  }
0xa0: {  	s20 =	sld [smem:$0x3FDB];
	_ =	sdelay $0x1  }
0xa1: {  	s8 =	simm.s32 $_scs_section_size  }
0xa2: {  	s9 =	simm.s32 $_size__tile_overlayer_lowered;
	s10 =	simm.s32 $_tile_overlayer_lowered  }
0xa3: {  	s23 =	simm.s32 $0x1BFF;
	s22 =	sshll.u32 s10, $0x1;
	s7 =	sadd.s32 s8, s20  }
0xa4: {  	s11 =	simm.s32 $0x0;
	s21 =	sshll.u32 s9, $0x1;
	s9 =	sadd.s32 s22, s7  }
0xa5: {  	[timem:s11], [sflag:s23] =	dma.local [hbm:s9], s21  }
0xa6: {  	_ =	swait.ge [sflag:s23], s21  }
0xa7: {  	s8 =	ssub.s32 $0x0, s21;
	[sflag:s23] =	ssyncset.done $0x0  }
0xa8: {  	[sflag:s23] =	ssyncadd.s32 s8;
	_ =	sdelay $0x1  }
0xa9: {  	s24 =	simm.s32 $0x1B8B  }
0xaa: {  	_ =	swait.ge [sflag:s24], $0x1  }
0xab: {  	[sflag:s24] =	ssyncset.done $0x0  }
0xac: {  	s25 =	simm.s32 $0x1B8E;
	[sflag:s24] =	ssyncadd.s32 $0xFFFFFFFF  }
0xad: {  	s26 =	simm.s32 $execute0_lowered;
	[smem:$0x3FD2] =	sst s25  }
0xae: {  	s8 =	sshll.u32 s26, $0x1;
	_ =	strace $0x80000046;
	[dreg:$0x1] =	wrdreg $0xFFFFFFFF  }
0xaf: {  	s28 =	simm.s32 $_size_execute0_lowered;
	s7 =	sadd.s32 s7, s8;
	[dreg:$0x0] =	wrdreg $0x0  }
0xb0: {  	s8 =	sshll.u32 s28, $0x1;
	[dreg:$0x2] =	wrdreg s7  }
0xb1: {  	[dreg:$0x3] =	wrdreg s8  }
0xb2: {  	[dreg:$0x4] =	wrdreg $0xC0  }
0xb3: {  	_ =	task [dreg:s11], $0x5FFFF  }
0xb4: {  	[dreg:$0x1] =	wrdreg $0xFFFFFFFF  }
0xb5: {  	[dreg:$0x0] =	wrdreg $0x60  }
0xb6: {  	[dreg:$0x2] =	wrdreg s16  }
0xb7: {  	[dreg:$0x3] =	wrdreg s4  }
0xb8: {  	[dreg:$0x4] =	wrdreg s5  }
0xb9: {  	[dreg:$0x5] =	wrdreg s17  }
0xba: {  	[dreg:$0x6] =	wrdreg s18  }
0xbb: {  	[dreg:$0x7] =	wrdreg $0x0  }
0xbc: {  	[dreg:$0x8] =	wrdreg $0x9  }
0xbd: {  	_ =	task.clear_ibuf [dreg:s11], $0x9FFFF;
	_ =	strace $0x90000046  }
0xbe: {  	s29 =	simm.s32 $0x9;
	_ =	strace $0x80000048  }
0xbf: {  	_ =	swait.ge [sflag:s29], $0x1  }
0xc0: {  	[sflag:s29] =	ssyncadd.s32 $0xFFFFFFFF  }
0xc1: {  	_ =	strace $0x90000048  }
0xc2: {  	_ =	sfence  }
0xc3: {  	s30 =	sld [smem:$0x0];
	_ =	sdelay $0x2  }
0xc4: {  	s31 =	sshll.u32 s1, $0xD;
	s1 =	sshrl.u32 s1, $0x2  }
0xc5: {  	s3 =	sand.u32 $0x4000, s31;
	s1 =	sadd.s32 s1, s30  }
0xc6: {  	s0 =	sor.u32 s3, s0;
	s1 =	sshll.u32 s1, $0x11  }
0xc7: {  	s0 =	sor.u32 s1, s0  }
0xc8: {  	s0 =	sadd.s32 $0x8F2B, s0  }
0xc9: {  	[sflag:s0] =	ssyncadd.remote.s32 $0x1  }
0xca: {  	_ =	sfence.sel $0xFFFF  }
0xcb: {  	[dreg:$0x0] =	wrdreg $0xFFFFFFFF;
	(pc) =	sbr.abs _section_cstart, $3  }
0xcc: {  	[dreg:$0x1] =	wrdreg $0xFFFFFFFF  }
0xcd: {  	_ =	task.clear_ibuf [dreg:s11], $0x2FFFF;
	_ =	strace $0x9FFFFFFF  }
0xce: {  	(tm) =	ssettm $0x7FFFFFFF  }
0xcf: {  	_ =	shalt  }
tec
execute0_lowered:
.L_overlay_start_1:
0x0: {  	(tag) =	ssettag $0x1  }
0x1: {  	s5 =	rddreg [dreg:$0x0]  }
0x2: {  	s6 =	rddreg [dreg:$0x1]  }
0x3: {  	s1 =	rddreg [dreg:$0x2]  }
0x4: {  	s7 =	rddreg [dreg:$0x3]  }
0x5: {  	s8 =	rddreg [dreg:$0x4]  }
0x6: {  	s3 =	rddreg [dreg:$0x5];
	s4 =	simm.s32 $0x0;
	s0 =	srdreg.scid  }
0x7: {  	s2 =	stileid.u32;
	s22 =	simm.s32 $0x1080;
	[smem:$0x7FF] =	sst s4  }
0x8: {  	s9 =	sshll.u32 s2, $0x8;
	s10 =	sshll.u32 s2, $0x6;
	s15 =	sshll.u32 s2, $0xB  }
0x9: {  	_ =	strace $0x80000047;
	s6 =	sadd.s32 s6, s9;
	[dreg:$0xd] =	wrdreg s22  }
0xa: {  	s14 =	sor.u32 $0x1C01, s10;
	s16 =	sadd.s32 s15, s3;
	[dreg:$0x7] =	wrdreg s6  }
0xb: {  	s0 =	sand.u32 $0x1, s0;
	[dreg:$0x8] =	wrdreg s14;
	s18 =	sshrl.u32 s16, $0x3  }
0xc: {  	s11 =	sshll.u32 s0, $0x7;
	[dreg:$0xc] =	wrdreg s18  }
0xd: {  	s9 =	sor.u32 s11, s9;
	s19 =	rddreg [dreg:$0x8]  }
0xe: {  	s5 =	sadd.s32 s5, s9;
	s21 =	rddreg [dreg:$0x7]  }
0xf: {  	s17 =	sadd.s32 s7, s9;
	[dreg:$0x9] =	wrdreg s5  }
0x10: {  	[dreg:$0xa] =	wrdreg s17  }
0x11: {  	s20 =	sadd.s32 s8, s9;
	s5 =	rddreg [dreg:$0xc]  }
0x12: {  	[dreg:$0xb] =	wrdreg s20  }
0x13: {  	[spmem:s5], [sflag:s19] =	dma.local [hbm:s21], $0x100  }
0x14: {  	s6 =	simm.s32 $0x1;
	s5 =	simm.s32 $0x800;
	s23 =	rddreg [dreg:$0x9]  }
0x15: {  	[tilespmem:s5], [sflag:$0x1] =	stream.linear.gather [hbm4b:s23+s4], $0x400, $0x38;
	[tilespmem:$0x1400] =	vst v63  }
0x16: {  	_ =	swait.ge [sflag:s6], $0x400  }
0x17: {  	[sflag:s6] =	ssyncset.done $0x0  }
0x18: {  	s7 =	simm.s32 $0x80;
	s8 =	simm.s32 $0x1000;
	[sflag:s6] =	ssyncadd.s32 $0xFFFFFC00  }
0x19: {  	[tilespmem:s8], [sflag:$0x2] =	stream.indirect.gather [hbm4b:s1+s7], $0x1, s5, s7, $0xb8;
	[tilespmem:$0x1400] =	vst v63  }
0x1a: {  	s9 =	simm.s32 $0x880;
	s24 =	rddreg [dreg:$0xd]  }
0x1b: {  	[tilespmem:s24], [sflag:$0x2] =	stream.indirect.gather [hbm4b:s1+s7], $0x1, s9, s7, $0xb8;
	[tilespmem:$0x1400] =	vst v63  }
0x1c: {  	s25 =	simm.s32 $0x1100;
	s10 =	simm.s32 $0x900  }
0x1d: {  	[tilespmem:s25], [sflag:$0x2] =	stream.indirect.gather [hbm4b:s1+s7], $0x1, s10, s7, $0xb8;
	[tilespmem:$0x1400] =	vst v63  }
0x1e: {  	s12 =	simm.s32 $0x980;
	s26 =	simm.s32 $0x1180  }
0x1f: {  	[tilespmem:s26], [sflag:$0x2] =	stream.indirect.gather [hbm4b:s1+s7], $0x1, s12, s7, $0xb8;
	[tilespmem:$0x1400] =	vst v63  }
0x20: {  	s15 =	simm.s32 $0x1200;
	s14 =	simm.s32 $0xA00  }
0x21: {  	[tilespmem:s15], [sflag:$0x2] =	stream.indirect.gather [hbm4b:s1+s7], $0x1, s14, s7, $0xb8;
	[tilespmem:$0x1400] =	vst v63  }
0x22: {  	s16 =	simm.s32 $0xA80;
	s17 =	simm.s32 $0x1280  }
0x23: {  	[tilespmem:s17], [sflag:$0x2] =	stream.indirect.gather [hbm4b:s1+s7], $0x1, s16, s7, $0xb8;
	[tilespmem:$0x1400] =	vst v63  }
0x24: {  	s18 =	simm.s32 $0xB00;
	s19 =	simm.s32 $0x1300  }
0x25: {  	[tilespmem:s19], [sflag:$0x2] =	stream.indirect.gather [hbm4b:s1+s7], $0x1, s18, s7, $0xb8;
	[tilespmem:$0x1400] =	vst v63  }
0x26: {  	s20 =	simm.s32 $0xB80;
	s21 =	simm.s32 $0x1380  }
0x27: {  	[tilespmem:s21], [sflag:$0x2] =	stream.indirect.gather [hbm4b:s1+s7], $0x1, s20, s7, $0xb8;
	[tilespmem:$0x1400] =	vst v63  }
0x28: {  	_ =	swait.ge [sflag:s6], $0x100  }
0x29: {  	[sflag:s6] =	ssyncset.done $0x0  }
0x2a: {  	[sflag:s6] =	ssyncadd.s32 $0xFFFFFF00  }
0x2b: {  	s22 =	simm.s32 $0xC00;
	[bflag:$0x0] =	sbarrier.arrive $0xFFFF  }
0x2c: {  	[tilespmem:s22], [sflag:$0x1] =	stream.indirect.gather [spmem:s3], $0x1, s5, s7, $0xb8;
	[tilespmem:$0x1400] =	vst v63  }
0x2d: {  	s23 =	simm.s32 $0xC80  }
0x2e: {  	[tilespmem:s23], [sflag:$0x1] =	stream.indirect.gather [spmem:s3], $0x1, s9, s7, $0xb8;
	[tilespmem:$0x1400] =	vst v63  }
0x2f: {  	s24 =	simm.s32 $0xD00  }
0x30: {  	[tilespmem:s24], [sflag:$0x1] =	stream.indirect.gather [spmem:s3], $0x1, s10, s7, $0xb8;
	[tilespmem:$0x1400] =	vst v63  }
0x31: {  	s25 =	simm.s32 $0xD80  }
0x32: {  	[tilespmem:s25], [sflag:$0x1] =	stream.indirect.gather [spmem:s3], $0x1, s12, s7, $0xb8;
	[tilespmem:$0x1400] =	vst v63  }
0x33: {  	s26 =	simm.s32 $0xE00  }
0x34: {  	[tilespmem:s26], [sflag:$0x1] =	stream.indirect.gather [spmem:s3], $0x1, s14, s7, $0xb8;
	[tilespmem:$0x1400] =	vst v63  }
0x35: {  	s28 =	simm.s32 $0xE80  }
0x36: {  	[tilespmem:s28], [sflag:$0x1] =	stream.indirect.gather [spmem:s3], $0x1, s16, s7, $0xb8;
	[tilespmem:$0x1400] =	vst v63  }
0x37: {  	s29 =	simm.s32 $0xF00  }
0x38: {  	[tilespmem:s29], [sflag:$0x1] =	stream.indirect.gather [spmem:s3], $0x1, s18, s7, $0xb8;
	[tilespmem:$0x1400] =	vst v63  }
0x39: {  	s30 =	simm.s32 $0xF80  }
0x3a: {  	[tilespmem:s30], [sflag:$0x1] =	stream.indirect.gather [spmem:s3], $0x1, s20, s7, $0xb8;
	[tilespmem:$0x1400] =	vst v63  }
0x3b: {  	_ =	swait.ge [sflag:s6], $0x80  }
0x3c: {  	[sflag:s6] =	ssyncset.done $0x0  }
0x3d: {  	[sflag:s6] =	ssyncadd.s32 $0xFFFFFF80  }
0x3e: {  	_ =	swait.ge [sflag:s6], $0x80  }
0x3f: {  	[sflag:s6] =	ssyncset.done $0x0  }
0x40: {  	[sflag:s6] =	ssyncadd.s32 $0xFFFFFF80  }
0x41: {  	_ =	swait.ge [sflag:s6], $0x80  }
0x42: {  	[sflag:s6] =	ssyncset.done $0x0  }
0x43: {  	[sflag:s6] =	ssyncadd.s32 $0xFFFFFF80  }
0x44: {  	_ =	swait.ge [sflag:s6], $0x80  }
0x45: {  	[sflag:s6] =	ssyncset.done $0x0  }
0x46: {  	[sflag:s6] =	ssyncadd.s32 $0xFFFFFF80  }
0x47: {  	_ =	swait.ge [sflag:s6], $0x80  }
0x48: {  	[sflag:s6] =	ssyncset.done $0x0  }
0x49: {  	[sflag:s6] =	ssyncadd.s32 $0xFFFFFF80  }
0x4a: {  	_ =	swait.ge [sflag:s6], $0x80  }
0x4b: {  	[sflag:s6] =	ssyncset.done $0x0  }
0x4c: {  	[sflag:s6] =	ssyncadd.s32 $0xFFFFFF80  }
0x4d: {  	_ =	swait.ge [sflag:s6], $0x80  }
0x4e: {  	[sflag:s6] =	ssyncset.done $0x0  }
0x4f: {  	[sflag:s6] =	ssyncadd.s32 $0xFFFFFF80  }
0x50: {  	_ =	swait.ge [sflag:s6], $0x80  }
0x51: {  	[sflag:s6] =	ssyncset.done $0x0  }
0x52: {  	s31 =	rddreg [dreg:$0xa];
	[sflag:s6] =	ssyncadd.s32 $0xFFFFFF80  }
0x53: {  	[hbm4b:s31+s4] =	stream.linear.scatter [tilespmem:s22], [sflag:$0x1], $0x400, $0x38;
	[tilespmem:$0x1400] =	vst v63  }
0x54: {  	s31 =	simm.s32 $0x2  }
0x55: {  	_ =	swait.ge [sflag:s31], $0x80  }
0x56: {  	[sflag:s31] =	ssyncset.done $0x0  }
0x57: {  	[sflag:s31] =	ssyncadd.s32 $0xFFFFFF80  }
0x58: {  	_ =	swait.ge [sflag:s31], $0x80  }
0x59: {  	[sflag:s31] =	ssyncset.done $0x0  }
0x5a: {  	[sflag:s31] =	ssyncadd.s32 $0xFFFFFF80  }
0x5b: {  	_ =	swait.ge [sflag:s31], $0x80  }
0x5c: {  	[sflag:s31] =	ssyncset.done $0x0  }
0x5d: {  	[sflag:s31] =	ssyncadd.s32 $0xFFFFFF80  }
0x5e: {  	_ =	swait.ge [sflag:s31], $0x80  }
0x5f: {  	[sflag:s31] =	ssyncset.done $0x0  }
0x60: {  	[sflag:s31] =	ssyncadd.s32 $0xFFFFFF80  }
0x61: {  	_ =	swait.ge [sflag:s31], $0x80  }
0x62: {  	[sflag:s31] =	ssyncset.done $0x0  }
0x63: {  	[sflag:s31] =	ssyncadd.s32 $0xFFFFFF80  }
0x64: {  	_ =	swait.ge [sflag:s31], $0x80  }
0x65: {  	[sflag:s31] =	ssyncset.done $0x0  }
0x66: {  	[sflag:s31] =	ssyncadd.s32 $0xFFFFFF80  }
0x67: {  	_ =	swait.ge [sflag:s31], $0x80  }
0x68: {  	s0 =	ssub.s32 $0x2, s0;
	[sflag:s31] =	ssyncset.done $0x0  }
0x69: {  	s13 =	sshrl.u32 s0, $0x1;
	[sflag:s31] =	ssyncadd.s32 $0xFFFFFF80  }
0x6a: {  	s0 =	ssub.s32 s0, s13;
	_ =	swait.ge [sflag:s31], $0x80  }
0x6b: {  	s0 =	smax.u32 s0, $0x1;
	[sflag:s31] =	ssyncset.done $0x0  }
0x6c: {  	p0 =	sne.s32 s0, $0x1;
	s11 =	rddreg [dreg:$0xb];
	[sflag:s31] =	ssyncadd.s32 $0xFFFFFF80  }
0x6d: {  	[hbm4b:s11+s4] =	stream.linear.scatter [tilespmem:s8], [sflag:$0x2], $0x400, $0x38;
	[tilespmem:$0x1400] =	vst v63  }
.Ltmp0:
0x6e: {  	_ = 	snop;
	(pc) =	sbr.rel @!p0 .LBB2_2-.Ltmp0, $4  }
0x6f: {  	_ =	swait.ge [sflag:s6], $0x400  }
0x70: {  	[sflag:s6] =	ssyncset.done $0x0  }
0x71: {  	[sflag:s6] =	ssyncadd.s32 $0xFFFFFC00  }
0x72: {  	s0 =	sadd.s32 $0xFFFFFFFF, s0;
	_ =	swait.ge [sflag:s31], $0x400  }
.LBB2_1:
0x73: {  	s2 =	rddreg [dreg:$0xc]  }
0x74: {  	[sflag:s31] =	ssyncset.done $0x0;
	s11 =	rddreg [dreg:$0x8]  }
0x75: {  	s13 =	rddreg [dreg:$0x7];
	[sflag:s31] =	ssyncadd.s32 $0xFFFFFC00  }
0x76: {  	[spmem:s2], [sflag:s11] =	dma.local [hbm:s13], $0x100  }
0x77: {  	s2 =	rddreg [dreg:$0x9]  }
0x78: {  	[tilespmem:s5], [sflag:$0x1] =	stream.linear.gather [hbm4b:s2+s4], $0x400, $0x38;
	[tilespmem:$0x1400] =	vst v63  }
0x79: {  	_ =	swait.ge [sflag:s6], $0x400  }
0x7a: {  	[sflag:s6] =	ssyncset.done $0x0  }
0x7b: {  	[sflag:s6] =	ssyncadd.s32 $0xFFFFFC00  }
0x7c: {  	[tilespmem:s8], [sflag:$0x2] =	stream.indirect.gather [hbm4b:s1+s7], $0x1, s5, s7, $0xb8;
	[tilespmem:$0x1400] =	vst v63  }
0x7d: {  	s13 =	rddreg [dreg:$0xd]  }
0x7e: {  	[tilespmem:s13], [sflag:$0x2] =	stream.indirect.gather [hbm4b:s1+s7], $0x1, s9, s7, $0xb8;
	[tilespmem:$0x1400] =	vst v63  }
0x7f: {  	s11 =	simm.s32 $0x1100  }
0x80: {  	[tilespmem:s11], [sflag:$0x2] =	stream.indirect.gather [hbm4b:s1+s7], $0x1, s10, s7, $0xb8;
	[tilespmem:$0x1400] =	vst v63  }
0x81: {  	s13 =	simm.s32 $0x1180  }
0x82: {  	[tilespmem:s13], [sflag:$0x2] =	stream.indirect.gather [hbm4b:s1+s7], $0x1, s12, s7, $0xb8;
	[tilespmem:$0x1400] =	vst v63  }
0x83: {  	_ = 	snop  }
0x84: {  	[tilespmem:s15], [sflag:$0x2] =	stream.indirect.gather [hbm4b:s1+s7], $0x1, s14, s7, $0xb8;
	[tilespmem:$0x1400] =	vst v63  }
0x85: {  	_ = 	snop  }
0x86: {  	[tilespmem:s17], [sflag:$0x2] =	stream.indirect.gather [hbm4b:s1+s7], $0x1, s16, s7, $0xb8;
	[tilespmem:$0x1400] =	vst v63  }
0x87: {  	_ = 	snop  }
0x88: {  	[tilespmem:s19], [sflag:$0x2] =	stream.indirect.gather [hbm4b:s1+s7], $0x1, s18, s7, $0xb8;
	[tilespmem:$0x1400] =	vst v63  }
0x89: {  	_ = 	snop  }
0x8a: {  	[tilespmem:s21], [sflag:$0x2] =	stream.indirect.gather [hbm4b:s1+s7], $0x1, s20, s7, $0xb8;
	[tilespmem:$0x1400] =	vst v63  }
0x8b: {  	_ =	swait.ge [sflag:s6], $0x100  }
0x8c: {  	[sflag:s6] =	ssyncset.done $0x0  }
0x8d: {  	[sflag:s6] =	ssyncadd.s32 $0xFFFFFF00  }
0x8e: {  	[bflag:$0x0] =	sbarrier.arrive $0xFFFF  }
0x8f: {  	[tilespmem:s22], [sflag:$0x1] =	stream.indirect.gather [spmem:s3], $0x1, s5, s7, $0xb8;
	[tilespmem:$0x1400] =	vst v63  }
0x90: {  	_ = 	snop  }
0x91: {  	[tilespmem:s23], [sflag:$0x1] =	stream.indirect.gather [spmem:s3], $0x1, s9, s7, $0xb8;
	[tilespmem:$0x1400] =	vst v63  }
0x92: {  	_ = 	snop  }
0x93: {  	[tilespmem:s24], [sflag:$0x1] =	stream.indirect.gather [spmem:s3], $0x1, s10, s7, $0xb8;
	[tilespmem:$0x1400] =	vst v63  }
0x94: {  	_ = 	snop  }
0x95: {  	[tilespmem:s25], [sflag:$0x1] =	stream.indirect.gather [spmem:s3], $0x1, s12, s7, $0xb8;
	[tilespmem:$0x1400] =	vst v63  }
0x96: {  	_ = 	snop  }
0x97: {  	[tilespmem:s26], [sflag:$0x1] =	stream.indirect.gather [spmem:s3], $0x1, s14, s7, $0xb8;
	[tilespmem:$0x1400] =	vst v63  }
0x98: {  	_ = 	snop  }
0x99: {  	[tilespmem:s28], [sflag:$0x1] =	stream.indirect.gather [spmem:s3], $0x1, s16, s7, $0xb8;
	[tilespmem:$0x1400] =	vst v63  }
0x9a: {  	_ = 	snop  }
0x9b: {  	[tilespmem:s29], [sflag:$0x1] =	stream.indirect.gather [spmem:s3], $0x1, s18, s7, $0xb8;
	[tilespmem:$0x1400] =	vst v63  }
0x9c: {  	_ = 	snop  }
0x9d: {  	[tilespmem:s30], [sflag:$0x1] =	stream.indirect.gather [spmem:s3], $0x1, s20, s7, $0xb8;
	[tilespmem:$0x1400] =	vst v63  }
0x9e: {  	_ =	swait.ge [sflag:s6], $0x80  }
0x9f: {  	[sflag:s6] =	ssyncset.done $0x0  }
0xa0: {  	[sflag:s6] =	ssyncadd.s32 $0xFFFFFF80  }
0xa1: {  	_ =	swait.ge [sflag:s6], $0x80  }
0xa2: {  	[sflag:s6] =	ssyncset.done $0x0  }
0xa3: {  	[sflag:s6] =	ssyncadd.s32 $0xFFFFFF80  }
0xa4: {  	_ =	swait.ge [sflag:s6], $0x80  }
0xa5: {  	[sflag:s6] =	ssyncset.done $0x0  }
0xa6: {  	[sflag:s6] =	ssyncadd.s32 $0xFFFFFF80  }
0xa7: {  	_ =	swait.ge [sflag:s6], $0x80  }
0xa8: {  	[sflag:s6] =	ssyncset.done $0x0  }
0xa9: {  	[sflag:s6] =	ssyncadd.s32 $0xFFFFFF80  }
0xaa: {  	_ =	swait.ge [sflag:s6], $0x80  }
0xab: {  	[sflag:s6] =	ssyncset.done $0x0  }
0xac: {  	[sflag:s6] =	ssyncadd.s32 $0xFFFFFF80  }
0xad: {  	_ =	swait.ge [sflag:s6], $0x80  }
0xae: {  	[sflag:s6] =	ssyncset.done $0x0  }
0xaf: {  	[sflag:s6] =	ssyncadd.s32 $0xFFFFFF80  }
0xb0: {  	_ =	swait.ge [sflag:s6], $0x80  }
0xb1: {  	[sflag:s6] =	ssyncset.done $0x0  }
0xb2: {  	[sflag:s6] =	ssyncadd.s32 $0xFFFFFF80  }
0xb3: {  	_ =	swait.ge [sflag:s6], $0x80  }
0xb4: {  	[sflag:s6] =	ssyncset.done $0x0  }
0xb5: {  	s11 =	rddreg [dreg:$0xa];
	[sflag:s6] =	ssyncadd.s32 $0xFFFFFF80  }
0xb6: {  	[hbm4b:s11+s4] =	stream.linear.scatter [tilespmem:s22], [sflag:$0x1], $0x400, $0x38;
	[tilespmem:$0x1400] =	vst v63  }
0xb7: {  	_ =	swait.ge [sflag:s31], $0x80  }
0xb8: {  	[sflag:s31] =	ssyncset.done $0x0  }
0xb9: {  	[sflag:s31] =	ssyncadd.s32 $0xFFFFFF80  }
0xba: {  	_ =	swait.ge [sflag:s31], $0x80  }
0xbb: {  	[sflag:s31] =	ssyncset.done $0x0  }
0xbc: {  	[sflag:s31] =	ssyncadd.s32 $0xFFFFFF80  }
0xbd: {  	_ =	swait.ge [sflag:s31], $0x80  }
0xbe: {  	[sflag:s31] =	ssyncset.done $0x0  }
0xbf: {  	[sflag:s31] =	ssyncadd.s32 $0xFFFFFF80  }
0xc0: {  	_ =	swait.ge [sflag:s31], $0x80  }
0xc1: {  	[sflag:s31] =	ssyncset.done $0x0  }
0xc2: {  	[sflag:s31] =	ssyncadd.s32 $0xFFFFFF80  }
0xc3: {  	_ =	swait.ge [sflag:s31], $0x80  }
0xc4: {  	[sflag:s31] =	ssyncset.done $0x0  }
0xc5: {  	[sflag:s31] =	ssyncadd.s32 $0xFFFFFF80  }
0xc6: {  	_ =	swait.ge [sflag:s31], $0x80  }
0xc7: {  	[sflag:s31] =	ssyncset.done $0x0  }
0xc8: {  	[sflag:s31] =	ssyncadd.s32 $0xFFFFFF80  }
0xc9: {  	_ =	swait.ge [sflag:s31], $0x80  }
0xca: {  	[sflag:s31] =	ssyncset.done $0x0  }
0xcb: {  	[sflag:s31] =	ssyncadd.s32 $0xFFFFFF80  }
0xcc: {  	_ =	swait.ge [sflag:s31], $0x80  }
0xcd: {  	[sflag:s31] =	ssyncset.done $0x0  }
0xce: {  	p0 =	sne.s32 s0, $0x1;
	s13 =	rddreg [dreg:$0xb];
	[sflag:s31] =	ssyncadd.s32 $0xFFFFFF80  }
0xcf: {  	[hbm4b:s13+s4] =	stream.linear.scatter [tilespmem:s8], [sflag:$0x2], $0x400, $0x38;
	[tilespmem:$0x1400] =	vst v63  }
.Ltmp1:
0xd0: {  	_ = 	snop;
	(pc) =	sbr.rel @p0 .LBB2_1-.Ltmp1, $4  }
0xd1: {  	_ =	swait.ge [sflag:s6], $0x400  }
0xd2: {  	[sflag:s6] =	ssyncset.done $0x0  }
0xd3: {  	[sflag:s6] =	ssyncadd.s32 $0xFFFFFC00  }
0xd4: {  	s0 =	sadd.s32 $0xFFFFFFFF, s0;
	_ =	swait.ge [sflag:s31], $0x400  }
.LBB2_2:
0xd5: {  	[sflag:s31] =	ssyncset.done $0x0  }
0xd6: {  	[sflag:s31] =	ssyncadd.s32 $0xFFFFFC00  }
0xd7: {  	_ =	sfence.sel $0x180000  }
0xd8: {  	[bflag:$0x0] =	sbarrier.arrive $0xFFFF  }
0xd9: {  	_ =	strace $0x90000047  }
0xda: {  	s0 =	stileid.u32;
	[bflag:$0x2] =	sbarrier.arrive $0xFFFF  }
0xdb: {  	p0 =	sne.s32 s0, $0x0;
	s0 =	rddreg [dreg:$0x6]  }
0xdc: {  	s0 =	sadd.s32 @!p0 $0x100000, s0  }
0xdd: {  	[sflag:s0] =	ssyncadd.tile.s32 @!p0 $0x1;
	_ =	shalt  }
.Lfunc_end2:
_tile_overlayer_lowered:
.L_overlay_start_2:
0xde: {  	(tag) =	ssettag $0x2  }
0xdf: {  	s0 =	rddreg [dreg:$0x0];
	s2 =	stileid.u32  }
0xe0: {  	s1 =	rddreg [dreg:$0x1];
	p0 =	sne.s32 s2, $0x0  }
0xe1: {  	s3 =	rddreg [dreg:$0x2];
	[bflag:$0x3] =	sbarrier.arrive $0xFFFF;
	s2 =	simm.s32 @!p0 $0x1C03  }
0xe2: {  	[timem:s3], [sflag:s2] =	dma.local @!p0 [hbm:s0], s1  }
0xe3: {  	s0 =	simm.s32 @!p0 $0x3  }
0xe4: {  	_ =	swait.ge @!p0 [sflag:s0], s1  }
0xe5: {  	s1 =	ssub.s32 @!p0 $0x0, s1;
	[sflag:s0] =	ssyncset.done @!p0 $0x0  }
0xe6: {  	[sflag:s0] =	ssyncadd.s32 @!p0 s1  }
0xe7: {  	[bflag:$0x3] =	sbarrier.arrive $0xFFFF  }
0xe8: {  	_ =	shalt  }

</sc_bundles>
